<compile_context>
chip_gen: v7x
topology: tpu7x:2x2x1
jax: 0.10.2.dev20260603
libtpu: 0.0.44.dev20260713+nightly
codegen_flags: <defaults>
</compile_context>

<pallas_src>
import functools

import jax
import jax.numpy as jnp
from jax import lax
from jax.experimental import pallas as pl
from jax.experimental.pallas import tpu as pltpu
from jax.experimental.pallas import tpu_sc as plsc

V = 10000
E = 320000
D = 128
NC = 2
NS = 16
NW = NC * NS
EPW = E // NW
K = 40
NCH = EPW // K
NB = 6
VP = 10240
RPT = VP // NS
L = 16
CR = VP // D

_sc_mesh = plsc.VectorSubcoreMesh(
    core_axis_name="c", subcore_axis_name="s", num_cores=NC, num_subcores=NS
)


@functools.partial(
    pl.kernel,
    out_type=(
        jax.ShapeDtypeStruct((NC, VP, D), jnp.float32),
        jax.ShapeDtypeStruct((NC, NS, 2, K, D), jnp.float32),
    ),
    mesh=_sc_mesh,
    compiler_params=pltpu.CompilerParams(
        use_tc_tiling_on_sc=False, needs_layout_passes=False
    ),
    scratch_types=[
        pltpu.VMEM((NB, K), jnp.int32),
        pltpu.VMEM((NCH, K), jnp.int32),
        [pltpu.VMEM((K, D), jnp.float32)] * NB,
        pltpu.VMEM_SHARED((VP, D), jnp.float32),
        [pltpu.SemaphoreType.DMA] * NB,
        [pltpu.SemaphoreType.DMA] * NB,
        [pltpu.SemaphoreType.DMA] * NB,
    ],
)
def _segment_sum_sc(feat, src, dst3, out, cnt_out,
                    srow, didx, rows, acc, isem, gsem, ssem):
    c = lax.axis_index("c")
    s = lax.axis_index("s")
    wid = c * NS + s
    base = wid * EPW

    pltpu.async_copy(dst3.at[wid], didx, gsem[0])
    z16 = jnp.zeros((L,), jnp.float32)

    def zero_buf(buf):
        def zb(i, carry):
            for u in range(8):
                buf[i, pl.ds(u * L, L)] = z16
            return carry
        lax.fori_loop(0, K, zb, 0)

    def ifetch(ci, b):
        pltpu.async_copy(src.at[pl.ds(base + ci * K, K)], srow.at[b], isem[b])

    def iwait(ci, b):
        pltpu.make_async_copy(
            src.at[pl.ds(base + ci * K, K)], srow.at[b], isem[b]).wait()

    def gath(ci, b):
        pltpu.async_copy(feat.at[srow.at[b]], rows[b], gsem[b])

    def gwait(b):
        pltpu.make_async_copy(feat.at[srow.at[b]], rows[b], gsem[b]).wait()

    def sctr(ci, b):
        pltpu.async_copy(rows[b], acc.at[didx.at[ci]], ssem[b], add=True)

    def swait(b):
        pltpu.make_async_copy(rows[b], acc.at[didx.at[0]], ssem[b]).wait()

    for b in range(NB):
        ifetch(b, b)
    zero_buf(rows[4])
    for b in range(4):
        iwait(b, b)
        gath(b, b)
    for r in range(RPT // K):
        sem = ssem[r % NB]
        pltpu.async_copy(rows[4], acc.at[pl.ds(s * RPT + r * K, K)], sem)
    for r in range(RPT // K):
        sem = ssem[r % NB]
        pltpu.make_async_copy(rows[4], acc.at[pl.ds(s * RPT + r * K, K)], sem).wait()
    pltpu.make_async_copy(dst3.at[wid], didx, gsem[0]).wait()
    plsc.subcore_barrier()

    def step(ci, b, first):
        gwait(b)
        sctr(ci, b)

        @pl.when(ci + NB < NCH)
        def _():
            ifetch(ci + NB, b)

        @pl.when(ci + 4 < NCH)
        def _():
            bn = (b + 4) % NB
            if not first:
                swait(bn)
            iwait(ci + 4, bn)
            gath(ci + 4, bn)

    step(0, 0, True)
    step(1, 1, True)

    def body(t, carry):
        for j in range(NB):
            step(NB * t + j + 2, (j + 2) % NB, False)
        return carry

    lax.fori_loop(0, (NCH - 4) // NB, body, 0)
    gwait(2)
    sctr(NCH - 2, 2)
    gwait(3)
    sctr(NCH - 1, 3)
    for b in range(NB):
        swait(b)
    plsc.subcore_barrier()
    pltpu.async_copy(acc.at[pl.ds(s * RPT, RPT)], out.at[c, pl.ds(s * RPT, RPT)],
                     gsem[5])

    zero_buf(rows[0])
    zero_buf(rows[1])
    ones = jnp.full((L,), 1.0, jnp.float32)
    lanes = lax.iota(jnp.int32, L)
    tailm = lanes >= 8

    def hist_group(idx16, gmask):
        hi = lax.shift_right_logical(idx16, 7)
        lo = lax.bitwise_and(idx16, 127)
        mlow = hi < K
        if gmask is not None:
            mhi = gmask & jnp.logical_not(mlow)
            mlow = gmask & mlow
        else:
            mhi = jnp.logical_not(mlow)
        plsc.addupdate_scatter(rows[0], [hi, lo], ones, mask=mlow)
        plsc.addupdate_scatter(rows[1], [hi - K, lo], ones, mask=mhi)

    def hist_body(ci, carry):
        hist_group(didx[ci, pl.ds(0, L)], None)
        hist_group(didx[ci, pl.ds(L, L)], None)
        hist_group(didx[ci, pl.ds(24, L)], tailm)
        return carry

    lax.fori_loop(0, NCH, hist_body, 0)
    pltpu.sync_copy(rows[0], cnt_out.at[c, s, 0])
    pltpu.sync_copy(rows[1], cnt_out.at[c, s, 1])
    pltpu.make_async_copy(acc.at[pl.ds(s * RPT, RPT)],
                          out.at[c, pl.ds(s * RPT, RPT)], gsem[5]).wait()


BNC = 1024
BN = 1000


def _cnt_body(c_ref, o_ref):
    o_ref[...] = jnp.sum(c_ref[...], axis=0)[:, None]


def _cnt_reduce_tc(cnts):
    return pl.pallas_call(
        _cnt_body,
        grid=(VP // BNC,),
        in_specs=[pl.BlockSpec((NW, BNC), lambda i: (0, i))],
        out_specs=pl.BlockSpec((BNC, 1), lambda i: (i, 0)),
        out_shape=jax.ShapeDtypeStruct((VP, 1), jnp.float32),
    )(cnts)


def _tc_body(p_ref, c_ref, feat_ref, we_ref, wn_ref, b_ref, o_ref):
    s1 = p_ref[0] + p_ref[1]
    cnt = c_ref[...]
    inv = 1.0 / jnp.maximum(cnt, 1.0)
    msk = (cnt > 0.0).astype(jnp.float32)
    cmb = jnp.dot(wn_ref[...], we_ref[...], preferred_element_type=jnp.float32)
    h1 = lax.dot_general(s1 * inv, cmb[:, :D], (((1,), (1,)), ((), ())),
                         preferred_element_type=jnp.float32)
    h2 = lax.dot_general(feat_ref[...] * msk, cmb[:, D:], (((1,), (1,)), ((), ())),
                         preferred_element_type=jnp.float32)
    o_ref[...] = h1 + h2 + b_ref[...]


def _node_update_tc(partials, cntcol, feat, w_edge, w_node, b2):
    return pl.pallas_call(
        _tc_body,
        grid=(V // BN,),
        in_specs=[
            pl.BlockSpec((NC, BN, D), lambda i: (0, i, 0)),
            pl.BlockSpec((BN, 1), lambda i: (i, 0)),
            pl.BlockSpec((BN, D), lambda i: (i, 0)),
            pl.BlockSpec((D, 2 * D), lambda i: (0, 0)),
            pl.BlockSpec((D, D), lambda i: (0, 0)),
            pl.BlockSpec((1, D), lambda i: (0, 0)),
        ],
        out_specs=pl.BlockSpec((BN, D), lambda i: (i, 0)),
        out_shape=jax.ShapeDtypeStruct((V, D), jnp.float32),
    )(partials, cntcol, feat, w_edge, w_node, b2)


def kernel(feat, edge_index, W_edge, W_node, b_node):
    ei = edge_index.astype(jnp.int32)
    src = ei[0]
    dst3 = ei[1].reshape(NW, NCH, K)
    partials, cnts = _segment_sum_sc(feat, src, dst3)
    cntcol = _cnt_reduce_tc(cnts.reshape(NW, VP))
    return _node_update_tc(partials, cntcol, feat, W_edge, W_node,
                           b_node.reshape(1, D))

# --- scband reference (transcript-rebuilt; emitter-appended) ---
"""Pipeline reference for scband-edge-graph-conv-33827162423948 (READ-ONLY COPY).

The authoritative reference and input builder live on the scoring server;
editing this copy changes nothing except your own understanding.
"""

import jax, jax.numpy as jnp
import numpy as np

N_NODES = 10000
N_EDGES = 320000
D = 128

def setup_inputs(seed: int = 0) -> dict:
    key = jax.random.key(seed)
    k1, k2, k3, k4 = jax.random.split(key, 4)
    feat = jax.random.normal(k1, (N_NODES, D), dtype=jnp.float32)
    edge_index = jax.random.randint(k2, (2, N_EDGES), 0, N_NODES, dtype=jnp.int64)
    # edge_fc: Linear(2*D -> D, bias=False); torch weight layout [out, in]
    W_edge = jax.random.normal(k3, (D, 2 * D), dtype=jnp.float32) * (1.0 / np.sqrt(2 * D))
    # node_fc: Linear(D -> D, bias=True)
    W_node = jax.random.normal(k4, (D, D), dtype=jnp.float32) * (1.0 / np.sqrt(D))
    b_node = jnp.zeros((D,), dtype=jnp.float32)
    return {"feat": feat, "edge_index": edge_index, "W_edge": W_edge, "W_node": W_node, "b_node": b_node}

def reference(feat, edge_index, W_edge, W_node, b_node):
    src = edge_index[0]
    dst = edge_index[1]
    n = feat.shape[0]
    # edge_embedding: eh = edge_fc(cat([h_src, h_dst])) (no activation; act=None)
    eh = jnp.concatenate([jnp.take(feat, src, axis=0), jnp.take(feat, dst, axis=0)], axis=1)
    eh = eh @ W_edge.T
    # fn.mean('eh', 'h'): mean of incoming edge features per destination node (0 if no in-edges)
    s = jax.ops.segment_sum(eh, dst, num_segments=n)
    cnt = jax.ops.segment_sum(jnp.ones((eh.shape[0],), dtype=eh.dtype), dst, num_segments=n)
    h = s / jnp.maximum(cnt, 1.0)[:, None]
    # node_fc (act=None)
    rst = h @ W_node.T + b_node
    return rst

if __name__ == "__main__":
    import jax
    _d = setup_inputs()
    print(jax.jit(kernel)(*tuple(_d.values())))

</pallas_src>

<mosaic_0001>
#map = affine_map<(d0, d1) -> (0, 0)>
#map1 = affine_map<(d0, d1) -> (0)>
#map2 = affine_map<(d0, d1) -> (0, 0, 0)>
#map3 = affine_map<(d0, d1) -> (0, 0, 0, 0, 0)>
module attributes {stable_mosaic.version = 14 : i64} {
  func.func @_segment_sum_sc(%arg0: i32, %arg1: i32, %arg2: memref<10000x128xf32, #tpu.memory_space<hbm>>, %arg3: memref<320000xi32, #tpu.memory_space<hbm>>, %arg4: memref<32x250x40xi32, #tpu.memory_space<hbm>>, %arg5: memref<2x10240x128xf32, #tpu.memory_space<hbm>>, %arg6: memref<2x16x2x40x128xf32, #tpu.memory_space<hbm>>, %arg7: memref<6x40xi32, #tpu.memory_space<vmem>>, %arg8: memref<250x40xi32, #tpu.memory_space<vmem>>, %arg9: memref<40x128xf32, #tpu.memory_space<vmem>>, %arg10: memref<40x128xf32, #tpu.memory_space<vmem>>, %arg11: memref<40x128xf32, #tpu.memory_space<vmem>>, %arg12: memref<40x128xf32, #tpu.memory_space<vmem>>, %arg13: memref<40x128xf32, #tpu.memory_space<vmem>>, %arg14: memref<40x128xf32, #tpu.memory_space<vmem>>, %arg15: memref<10240x128xf32, #tpu.memory_space<vmem_shared>>, %arg16: memref<!tpu.dma_semaphore, #tpu.memory_space<semaphore_mem>>, %arg17: memref<!tpu.dma_semaphore, #tpu.memory_space<semaphore_mem>>, %arg18: memref<!tpu.dma_semaphore, #tpu.memory_space<semaphore_mem>>, %arg19: memref<!tpu.dma_semaphore, #tpu.memory_space<semaphore_mem>>, %arg20: memref<!tpu.dma_semaphore, #tpu.memory_space<semaphore_mem>>, %arg21: memref<!tpu.dma_semaphore, #tpu.memory_space<semaphore_mem>>, %arg22: memref<!tpu.dma_semaphore, #tpu.memory_space<semaphore_mem>>, %arg23: memref<!tpu.dma_semaphore, #tpu.memory_space<semaphore_mem>>, %arg24: memref<!tpu.dma_semaphore, #tpu.memory_space<semaphore_mem>>, %arg25: memref<!tpu.dma_semaphore, #tpu.memory_space<semaphore_mem>>, %arg26: memref<!tpu.dma_semaphore, #tpu.memory_space<semaphore_mem>>, %arg27: memref<!tpu.dma_semaphore, #tpu.memory_space<semaphore_mem>>, %arg28: memref<!tpu.dma_semaphore, #tpu.memory_space<semaphore_mem>>, %arg29: memref<!tpu.dma_semaphore, #tpu.memory_space<semaphore_mem>>, %arg30: memref<!tpu.dma_semaphore, #tpu.memory_space<semaphore_mem>>, %arg31: memref<!tpu.dma_semaphore, #tpu.memory_space<semaphore_mem>>, %arg32: memref<!tpu.dma_semaphore, #tpu.memory_space<semaphore_mem>>, %arg33: memref<!tpu.dma_semaphore, #tpu.memory_space<semaphore_mem>>) attributes {dimension_semantics = [#tpu.dimension_semantics<core_parallel>, #tpu.dimension_semantics<subcore_parallel>], iteration_bounds = array<i64: 2, 16>, scalar_prefetch = 0 : i64, scratch_operands = 27 : i64, tpu.core_type = #tpu.core_type<sc_vector_subcore>, window_params = [{transform_indices = #map}, {transform_indices = #map1}, {transform_indices = #map2}, {transform_indices = #map2}, {transform_indices = #map3}]} {
    %mul3A = arith.constant 16 : i32
    %mul3A_0 = arith.muli %arg0, %mul3A : i32
    %add3A = arith.addi %mul3A_0, %arg1 : i32
    %mul3A_1 = arith.constant 10000 : i32
    %mul3A_2 = arith.muli %add3A, %mul3A_1 : i32
    %dma_start3A = arith.constant 0 : i32
    %dma_start3A_3 = arith.constant 0 : i32
    %dma_start3A_4 = tpu.memref_slice %arg4[%add3A, %dma_start3A, %dma_start3A_3] : memref<32x250x40xi32, #tpu.memory_space<hbm>> -> memref<1x250x40xi32, #tpu.memory_space<hbm>>
    %dma_start3A_5 = tpu.memref_squeeze %dma_start3A_4 : memref<1x250x40xi32, #tpu.memory_space<hbm>> -> memref<250x40xi32, #tpu.memory_space<hbm>>
    %dma_start3A_6 = arith.constant 0 : i32
    %dma_start3A_7 = arith.constant 0 : i32
    %dma_start3A_8 = tpu.memref_slice %arg4[%add3A, %dma_start3A_6, %dma_start3A_7] : memref<32x250x40xi32, #tpu.memory_space<hbm>> -> memref<1x250x40xi32, #tpu.memory_space<hbm>>
    %dma_start3A_9 = tpu.memref_squeeze %dma_start3A_8 : memref<1x250x40xi32, #tpu.memory_space<hbm>> -> memref<250x40xi32, #tpu.memory_space<hbm>>
    tpu.enqueue_dma source(%dma_start3A_9 : memref<250x40xi32, #tpu.memory_space<hbm>>) target(%arg8 : memref<250x40xi32, #tpu.memory_space<vmem>>) target_semaphore(%arg22 : memref<!tpu.dma_semaphore, #tpu.memory_space<semaphore_mem>>)
    %broadcast_in_dim3A = arith.constant 0.000000e+00 : f32
    %broadcast_in_dim3A_10 = vector.broadcast %broadcast_in_dim3A : f32 to vector<16xf32>
    %add3A_11 = arith.constant 0 : i32
    %add3A_12 = arith.addi %mul3A_2, %add3A_11 : i32
    %dma_start3A_13 = arith.constant 0 : i32
    %dma_start3A_14 = arith.constant 0 : i32
    %dma_start3A_15 = tpu.memref_slice %arg7[%dma_start3A_13, %dma_start3A_14] : memref<6x40xi32, #tpu.memory_space<vmem>> -> memref<1x40xi32, #tpu.memory_space<vmem>>
    %dma_start3A_16 = tpu.memref_squeeze %dma_start3A_15 : memref<1x40xi32, #tpu.memory_space<vmem>> -> memref<40xi32, #tpu.memory_space<vmem>>
    %dma_start3A_17 = tpu.memref_slice %arg3[%add3A_12] : memref<320000xi32, #tpu.memory_space<hbm>> -> memref<40xi32, #tpu.memory_space<hbm>>
    %dma_start3A_18 = arith.constant 0 : i32
    %dma_start3A_19 = tpu.memref_slice %arg7[%dma_start3A_13, %dma_start3A_18] : memref<6x40xi32, #tpu.memory_space<vmem>> -> memref<1x40xi32, #tpu.memory_space<vmem>>
    %dma_start3A_20 = tpu.memref_squeeze %dma_start3A_19 : memref<1x40xi32, #tpu.memory_space<vmem>> -> memref<40xi32, #tpu.memory_space<vmem>>
    %dma_start3A_21 = tpu.memref_slice %arg3[%add3A_12] : memref<320000xi32, #tpu.memory_space<hbm>> -> memref<40xi32, #tpu.memory_space<hbm>>
    tpu.enqueue_dma source(%dma_start3A_21 : memref<40xi32, #tpu.memory_space<hbm>>) target(%dma_start3A_20 : memref<40xi32, #tpu.memory_space<vmem>>) target_semaphore(%arg16 : memref<!tpu.dma_semaphore, #tpu.memory_space<semaphore_mem>>)
    %add3A_22 = arith.constant 40 : i32
    %add3A_23 = arith.addi %mul3A_2, %add3A_22 : i32
    %dma_start3A_24 = arith.constant 1 : i32
    %dma_start3A_25 = arith.constant 0 : i32
    %dma_start3A_26 = tpu.memref_slice %arg7[%dma_start3A_24, %dma_start3A_25] : memref<6x40xi32, #tpu.memory_space<vmem>> -> memref<1x40xi32, #tpu.memory_space<vmem>>
    %dma_start3A_27 = tpu.memref_squeeze %dma_start3A_26 : memref<1x40xi32, #tpu.memory_space<vmem>> -> memref<40xi32, #tpu.memory_space<vmem>>
    %dma_start3A_28 = tpu.memref_slice %arg3[%add3A_23] : memref<320000xi32, #tpu.memory_space<hbm>> -> memref<40xi32, #tpu.memory_space<hbm>>
    %dma_start3A_29 = arith.constant 0 : i32
    %dma_start3A_30 = tpu.memref_slice %arg7[%dma_start3A_24, %dma_start3A_29] : memref<6x40xi32, #tpu.memory_space<vmem>> -> memref<1x40xi32, #tpu.memory_space<vmem>>
    %dma_start3A_31 = tpu.memref_squeeze %dma_start3A_30 : memref<1x40xi32, #tpu.memory_space<vmem>> -> memref<40xi32, #tpu.memory_space<vmem>>
    %dma_start3A_32 = tpu.memref_slice %arg3[%add3A_23] : memref<320000xi32, #tpu.memory_space<hbm>> -> memref<40xi32, #tpu.memory_space<hbm>>
    tpu.enqueue_dma source(%dma_start3A_32 : memref<40xi32, #tpu.memory_space<hbm>>) target(%dma_start3A_31 : memref<40xi32, #tpu.memory_space<vmem>>) target_semaphore(%arg17 : memref<!tpu.dma_semaphore, #tpu.memory_space<semaphore_mem>>)
    %add3A_33 = arith.constant 80 : i32
    %add3A_34 = arith.addi %mul3A_2, %add3A_33 : i32
    %dma_start3A_35 = arith.constant 2 : i32
    %dma_start3A_36 = arith.constant 0 : i32
    %dma_start3A_37 = tpu.memref_slice %arg7[%dma_start3A_35, %dma_start3A_36] : memref<6x40xi32, #tpu.memory_space<vmem>> -> memref<1x40xi32, #tpu.memory_space<vmem>>
    %dma_start3A_38 = tpu.memref_squeeze %dma_start3A_37 : memref<1x40xi32, #tpu.memory_space<vmem>> -> memref<40xi32, #tpu.memory_space<vmem>>
    %dma_start3A_39 = tpu.memref_slice %arg3[%add3A_34] : memref<320000xi32, #tpu.memory_space<hbm>> -> memref<40xi32, #tpu.memory_space<hbm>>
    %dma_start3A_40 = arith.constant 0 : i32
    %dma_start3A_41 = tpu.memref_slice %arg7[%dma_start3A_35, %dma_start3A_40] : memref<6x40xi32, #tpu.memory_space<vmem>> -> memref<1x40xi32, #tpu.memory_space<vmem>>
    %dma_start3A_42 = tpu.memref_squeeze %dma_start3A_41 : memref<1x40xi32, #tpu.memory_space<vmem>> -> memref<40xi32, #tpu.memory_space<vmem>>
    %dma_start3A_43 = tpu.memref_slice %arg3[%add3A_34] : memref<320000xi32, #tpu.memory_space<hbm>> -> memref<40xi32, #tpu.memory_space<hbm>>
    tpu.enqueue_dma source(%dma_start3A_43 : memref<40xi32, #tpu.memory_space<hbm>>) target(%dma_start3A_42 : memref<40xi32, #tpu.memory_space<vmem>>) target_semaphore(%arg18 : memref<!tpu.dma_semaphore, #tpu.memory_space<semaphore_mem>>)
    %add3A_44 = arith.constant 120 : i32
    %add3A_45 = arith.addi %mul3A_2, %add3A_44 : i32
    %dma_start3A_46 = arith.constant 3 : i32
    %dma_start3A_47 = arith.constant 0 : i32
    %dma_start3A_48 = tpu.memref_slice %arg7[%dma_start3A_46, %dma_start3A_47] : memref<6x40xi32, #tpu.memory_space<vmem>> -> memref<1x40xi32, #tpu.memory_space<vmem>>
    %dma_start3A_49 = tpu.memref_squeeze %dma_start3A_48 : memref<1x40xi32, #tpu.memory_space<vmem>> -> memref<40xi32, #tpu.memory_space<vmem>>
    %dma_start3A_50 = tpu.memref_slice %arg3[%add3A_45] : memref<320000xi32, #tpu.memory_space<hbm>> -> memref<40xi32, #tpu.memory_space<hbm>>
    %dma_start3A_51 = arith.constant 0 : i32
    %dma_start3A_52 = tpu.memref_slice %arg7[%dma_start3A_46, %dma_start3A_51] : memref<6x40xi32, #tpu.memory_space<vmem>> -> memref<1x40xi32, #tpu.memory_space<vmem>>
    %dma_start3A_53 = tpu.memref_squeeze %dma_start3A_52 : memref<1x40xi32, #tpu.memory_space<vmem>> -> memref<40xi32, #tpu.memory_space<vmem>>
    %dma_start3A_54 = tpu.memref_slice %arg3[%add3A_45] : memref<320000xi32, #tpu.memory_space<hbm>> -> memref<40xi32, #tpu.memory_space<hbm>>
    tpu.enqueue_dma source(%dma_start3A_54 : memref<40xi32, #tpu.memory_space<hbm>>) target(%dma_start3A_53 : memref<40xi32, #tpu.memory_space<vmem>>) target_semaphore(%arg19 : memref<!tpu.dma_semaphore, #tpu.memory_space<semaphore_mem>>)
    %add3A_55 = arith.constant 160 : i32
    %add3A_56 = arith.addi %mul3A_2, %add3A_55 : i32
    %dma_start3A_57 = arith.constant 4 : i32
    %dma_start3A_58 = arith.constant 0 : i32
    %dma_start3A_59 = tpu.memref_slice %arg7[%dma_start3A_57, %dma_start3A_58] : memref<6x40xi32, #tpu.memory_space<vmem>> -> memref<1x40xi32, #tpu.memory_space<vmem>>
    %dma_start3A_60 = tpu.memref_squeeze %dma_start3A_59 : memref<1x40xi32, #tpu.memory_space<vmem>> -> memref<40xi32, #tpu.memory_space<vmem>>
    %dma_start3A_61 = tpu.memref_slice %arg3[%add3A_56] : memref<320000xi32, #tpu.memory_space<hbm>> -> memref<40xi32, #tpu.memory_space<hbm>>
    %dma_start3A_62 = arith.constant 0 : i32
    %dma_start3A_63 = tpu.memref_slice %arg7[%dma_start3A_57, %dma_start3A_62] : memref<6x40xi32, #tpu.memory_space<vmem>> -> memref<1x40xi32, #tpu.memory_space<vmem>>
    %dma_start3A_64 = tpu.memref_squeeze %dma_start3A_63 : memref<1x40xi32, #tpu.memory_space<vmem>> -> memref<40xi32, #tpu.memory_space<vmem>>
    %dma_start3A_65 = tpu.memref_slice %arg3[%add3A_56] : memref<320000xi32, #tpu.memory_space<hbm>> -> memref<40xi32, #tpu.memory_space<hbm>>
    tpu.enqueue_dma source(%dma_start3A_65 : memref<40xi32, #tpu.memory_space<hbm>>) target(%dma_start3A_64 : memref<40xi32, #tpu.memory_space<vmem>>) target_semaphore(%arg20 : memref<!tpu.dma_semaphore, #tpu.memory_space<semaphore_mem>>)
    %add3A_66 = arith.constant 200 : i32
    %add3A_67 = arith.addi %mul3A_2, %add3A_66 : i32
    %dma_start3A_68 = arith.constant 5 : i32
    %dma_start3A_69 = arith.constant 0 : i32
    %dma_start3A_70 = tpu.memref_slice %arg7[%dma_start3A_68, %dma_start3A_69] : memref<6x40xi32, #tpu.memory_space<vmem>> -> memref<1x40xi32, #tpu.memory_space<vmem>>
    %dma_start3A_71 = tpu.memref_squeeze %dma_start3A_70 : memref<1x40xi32, #tpu.memory_space<vmem>> -> memref<40xi32, #tpu.memory_space<vmem>>
    %dma_start3A_72 = tpu.memref_slice %arg3[%add3A_67] : memref<320000xi32, #tpu.memory_space<hbm>> -> memref<40xi32, #tpu.memory_space<hbm>>
    %dma_start3A_73 = arith.constant 0 : i32
    %dma_start3A_74 = tpu.memref_slice %arg7[%dma_start3A_68, %dma_start3A_73] : memref<6x40xi32, #tpu.memory_space<vmem>> -> memref<1x40xi32, #tpu.memory_space<vmem>>
    %dma_start3A_75 = tpu.memref_squeeze %dma_start3A_74 : memref<1x40xi32, #tpu.memory_space<vmem>> -> memref<40xi32, #tpu.memory_space<vmem>>
    %dma_start3A_76 = tpu.memref_slice %arg3[%add3A_67] : memref<320000xi32, #tpu.memory_space<hbm>> -> memref<40xi32, #tpu.memory_space<hbm>>
    tpu.enqueue_dma source(%dma_start3A_76 : memref<40xi32, #tpu.memory_space<hbm>>) target(%dma_start3A_75 : memref<40xi32, #tpu.memory_space<vmem>>) target_semaphore(%arg21 : memref<!tpu.dma_semaphore, #tpu.memory_space<semaphore_mem>>)
    %scan3A = arith.constant 0 : i32
    %scan3A_77 = arith.constant 0 : i32
    %scan3A_78 = arith.constant 40 : i32
    %scan3A_79 = arith.addi %scan3A_77, %scan3A_78 : i32
    %scan3A_80 = arith.constant 1 : i32
    scf.for %scan3A_621 = %scan3A_77 to %scan3A_79 step %scan3A_80  : i32 {
      %swap3A = arith.index_cast %scan3A_621 : i32 to index
      %swap3A_622 = arith.constant 0 : index
      %swap3A_623 = tpu.vector_load %arg13[%swap3A, %swap3A_622] {strides = array<i32>} : memref<40x128xf32, #tpu.memory_space<vmem>>, vector<16xf32>,
      tpu.vector_store %arg13[%swap3A, %swap3A_622], %broadcast_in_dim3A_10 {strides = array<i32>} : memref<40x128xf32, #tpu.memory_space<vmem>>, vector<16xf32>,
      %swap3A_624 = arith.index_cast %scan3A_621 : i32 to index
      %swap3A_625 = arith.constant 16 : index
      %swap3A_626 = tpu.vector_load %arg13[%swap3A_624, %swap3A_625] {strides = array<i32>} : memref<40x128xf32, #tpu.memory_space<vmem>>, vector<16xf32>,
      tpu.vector_store %arg13[%swap3A_624, %swap3A_625], %broadcast_in_dim3A_10 {strides = array<i32>} : memref<40x128xf32, #tpu.memory_space<vmem>>, vector<16xf32>,
      %swap3A_627 = arith.index_cast %scan3A_621 : i32 to index
      %swap3A_628 = arith.constant 32 : index
      %swap3A_629 = tpu.vector_load %arg13[%swap3A_627, %swap3A_628] {strides = array<i32>} : memref<40x128xf32, #tpu.memory_space<vmem>>, vector<16xf32>,
      tpu.vector_store %arg13[%swap3A_627, %swap3A_628], %broadcast_in_dim3A_10 {strides = array<i32>} : memref<40x128xf32, #tpu.memory_space<vmem>>, vector<16xf32>,
      %swap3A_630 = arith.index_cast %scan3A_621 : i32 to index
      %swap3A_631 = arith.constant 48 : index
      %swap3A_632 = tpu.vector_load %arg13[%swap3A_630, %swap3A_631] {strides = array<i32>} : memref<40x128xf32, #tpu.memory_space<vmem>>, vector<16xf32>,
      tpu.vector_store %arg13[%swap3A_630, %swap3A_631], %broadcast_in_dim3A_10 {strides = array<i32>} : memref<40x128xf32, #tpu.memory_space<vmem>>, vector<16xf32>,
      %swap3A_633 = arith.index_cast %scan3A_621 : i32 to index
      %swap3A_634 = arith.constant 64 : index
      %swap3A_635 = tpu.vector_load %arg13[%swap3A_633, %swap3A_634] {strides = array<i32>} : memref<40x128xf32, #tpu.memory_space<vmem>>, vector<16xf32>,
      tpu.vector_store %arg13[%swap3A_633, %swap3A_634], %broadcast_in_dim3A_10 {strides = array<i32>} : memref<40x128xf32, #tpu.memory_space<vmem>>, vector<16xf32>,
      %swap3A_636 = arith.index_cast %scan3A_621 : i32 to index
      %swap3A_637 = arith.constant 80 : index
      %swap3A_638 = tpu.vector_load %arg13[%swap3A_636, %swap3A_637] {strides = array<i32>} : memref<40x128xf32, #tpu.memory_space<vmem>>, vector<16xf32>,
      tpu.vector_store %arg13[%swap3A_636, %swap3A_637], %broadcast_in_dim3A_10 {strides = array<i32>} : memref<40x128xf32, #tpu.memory_space<vmem>>, vector<16xf32>,
      %swap3A_639 = arith.index_cast %scan3A_621 : i32 to index
      %swap3A_640 = arith.constant 96 : index
      %swap3A_641 = tpu.vector_load %arg13[%swap3A_639, %swap3A_640] {strides = array<i32>} : memref<40x128xf32, #tpu.memory_space<vmem>>, vector<16xf32>,
      tpu.vector_store %arg13[%swap3A_639, %swap3A_640], %broadcast_in_dim3A_10 {strides = array<i32>} : memref<40x128xf32, #tpu.memory_space<vmem>>, vector<16xf32>,
      %swap3A_642 = arith.index_cast %scan3A_621 : i32 to index
      %swap3A_643 = arith.constant 112 : index
      %swap3A_644 = tpu.vector_load %arg13[%swap3A_642, %swap3A_643] {strides = array<i32>} : memref<40x128xf32, #tpu.memory_space<vmem>>, vector<16xf32>,
      tpu.vector_store %arg13[%swap3A_642, %swap3A_643], %broadcast_in_dim3A_10 {strides = array<i32>} : memref<40x128xf32, #tpu.memory_space<vmem>>, vector<16xf32>,
    }
    %scan3A_81 = arith.constant 40 : i32
    %add3A_82 = arith.constant 0 : i32
    %add3A_83 = arith.addi %mul3A_2, %add3A_82 : i32
    %dma_wait3A = arith.constant 0 : i32
    %dma_wait3A_84 = arith.constant 0 : i32
    %dma_wait3A_85 = tpu.memref_slice %arg7[%dma_wait3A, %dma_wait3A_84] : memref<6x40xi32, #tpu.memory_space<vmem>> -> memref<1x40xi32, #tpu.memory_space<vmem>>
    %dma_wait3A_86 = tpu.memref_squeeze %dma_wait3A_85 : memref<1x40xi32, #tpu.memory_space<vmem>> -> memref<40xi32, #tpu.memory_space<vmem>>
    %dma_wait3A_87 = tpu.memref_slice %arg3[%add3A_83] : memref<320000xi32, #tpu.memory_space<hbm>> -> memref<40xi32, #tpu.memory_space<hbm>>
    %dma_wait3A_88 = arith.constant 0 : i32
    %dma_wait3A_89 = tpu.memref_slice %arg7[%dma_wait3A, %dma_wait3A_88] : memref<6x40xi32, #tpu.memory_space<vmem>> -> memref<1x40xi32, #tpu.memory_space<vmem>>
    %dma_wait3A_90 = tpu.memref_squeeze %dma_wait3A_89 : memref<1x40xi32, #tpu.memory_space<vmem>> -> memref<40xi32, #tpu.memory_space<vmem>>
    %dma_wait3A_91 = tpu.memref_slice %arg3[%add3A_83] : memref<320000xi32, #tpu.memory_space<hbm>> -> memref<40xi32, #tpu.memory_space<hbm>>
    tpu.wait_dma2 semaphore(%arg16 : memref<!tpu.dma_semaphore, #tpu.memory_space<semaphore_mem>>) src(%dma_wait3A_91 : memref<40xi32, #tpu.memory_space<hbm>>) dst(%dma_wait3A_90 : memref<40xi32, #tpu.memory_space<vmem>>)
    %dma_start3A_92 = arith.constant 0 : i32
    %dma_start3A_93 = arith.constant 0 : i32
    %dma_start3A_94 = tpu.memref_slice %arg7[%dma_start3A_92, %dma_start3A_93] : memref<6x40xi32, #tpu.memory_space<vmem>> -> memref<1x40xi32, #tpu.memory_space<vmem>>
    %dma_start3A_95 = tpu.memref_squeeze %dma_start3A_94 : memref<1x40xi32, #tpu.memory_space<vmem>> -> memref<40xi32, #tpu.memory_space<vmem>>
    %dma_start3A_96 = arith.constant 0 : i32
    %dma_start3A_97 = arith.constant 0 : i32
    %dma_start3A_98 = tpu.memref_slice %arg2[%dma_start3A_96, %dma_start3A_97] : memref<10000x128xf32, #tpu.memory_space<hbm>> -> memref<10000x128xf32, #tpu.memory_space<hbm>>
    tpu.enqueue_indirect_dma source(%dma_start3A_98 : memref<10000x128xf32, #tpu.memory_space<hbm>>) target(%arg9 : memref<40x128xf32, #tpu.memory_space<vmem>>) offsets(%dma_start3A_95 : memref<40xi32, #tpu.memory_space<vmem>>) semaphore(%arg22 : memref<!tpu.dma_semaphore, #tpu.memory_space<semaphore_mem>>)
    %add3A_99 = arith.constant 40 : i32
    %add3A_100 = arith.addi %mul3A_2, %add3A_99 : i32
    %dma_wait3A_101 = arith.constant 1 : i32
    %dma_wait3A_102 = arith.constant 0 : i32
    %dma_wait3A_103 = tpu.memref_slice %arg7[%dma_wait3A_101, %dma_wait3A_102] : memref<6x40xi32, #tpu.memory_space<vmem>> -> memref<1x40xi32, #tpu.memory_space<vmem>>
    %dma_wait3A_104 = tpu.memref_squeeze %dma_wait3A_103 : memref<1x40xi32, #tpu.memory_space<vmem>> -> memref<40xi32, #tpu.memory_space<vmem>>
    %dma_wait3A_105 = tpu.memref_slice %arg3[%add3A_100] : memref<320000xi32, #tpu.memory_space<hbm>> -> memref<40xi32, #tpu.memory_space<hbm>>
    %dma_wait3A_106 = arith.constant 0 : i32
    %dma_wait3A_107 = tpu.memref_slice %arg7[%dma_wait3A_101, %dma_wait3A_106] : memref<6x40xi32, #tpu.memory_space<vmem>> -> memref<1x40xi32, #tpu.memory_space<vmem>>
    %dma_wait3A_108 = tpu.memref_squeeze %dma_wait3A_107 : memref<1x40xi32, #tpu.memory_space<vmem>> -> memref<40xi32, #tpu.memory_space<vmem>>
    %dma_wait3A_109 = tpu.memref_slice %arg3[%add3A_100] : memref<320000xi32, #tpu.memory_space<hbm>> -> memref<40xi32, #tpu.memory_space<hbm>>
    tpu.wait_dma2 semaphore(%arg17 : memref<!tpu.dma_semaphore, #tpu.memory_space<semaphore_mem>>) src(%dma_wait3A_109 : memref<40xi32, #tpu.memory_space<hbm>>) dst(%dma_wait3A_108 : memref<40xi32, #tpu.memory_space<vmem>>)
    %dma_start3A_110 = arith.constant 1 : i32
    %dma_start3A_111 = arith.constant 0 : i32
    %dma_start3A_112 = tpu.memref_slice %arg7[%dma_start3A_110, %dma_start3A_111] : memref<6x40xi32, #tpu.memory_space<vmem>> -> memref<1x40xi32, #tpu.memory_space<vmem>>
    %dma_start3A_113 = tpu.memref_squeeze %dma_start3A_112 : memref<1x40xi32, #tpu.memory_space<vmem>> -> memref<40xi32, #tpu.memory_space<vmem>>
    %dma_start3A_114 = arith.constant 0 : i32
    %dma_start3A_115 = arith.constant 0 : i32
    %dma_start3A_116 = tpu.memref_slice %arg2[%dma_start3A_114, %dma_start3A_115] : memref<10000x128xf32, #tpu.memory_space<hbm>> -> memref<10000x128xf32, #tpu.memory_space<hbm>>
    tpu.enqueue_indirect_dma source(%dma_start3A_116 : memref<10000x128xf32, #tpu.memory_space<hbm>>) target(%arg10 : memref<40x128xf32, #tpu.memory_space<vmem>>) offsets(%dma_start3A_113 : memref<40xi32, #tpu.memory_space<vmem>>) semaphore(%arg23 : memref<!tpu.dma_semaphore, #tpu.memory_space<semaphore_mem>>)
    %add3A_117 = arith.constant 80 : i32
    %add3A_118 = arith.addi %mul3A_2, %add3A_117 : i32
    %dma_wait3A_119 = arith.constant 2 : i32
    %dma_wait3A_120 = arith.constant 0 : i32
    %dma_wait3A_121 = tpu.memref_slice %arg7[%dma_wait3A_119, %dma_wait3A_120] : memref<6x40xi32, #tpu.memory_space<vmem>> -> memref<1x40xi32, #tpu.memory_space<vmem>>
    %dma_wait3A_122 = tpu.memref_squeeze %dma_wait3A_121 : memref<1x40xi32, #tpu.memory_space<vmem>> -> memref<40xi32, #tpu.memory_space<vmem>>
    %dma_wait3A_123 = tpu.memref_slice %arg3[%add3A_118] : memref<320000xi32, #tpu.memory_space<hbm>> -> memref<40xi32, #tpu.memory_space<hbm>>
    %dma_wait3A_124 = arith.constant 0 : i32
    %dma_wait3A_125 = tpu.memref_slice %arg7[%dma_wait3A_119, %dma_wait3A_124] : memref<6x40xi32, #tpu.memory_space<vmem>> -> memref<1x40xi32, #tpu.memory_space<vmem>>
    %dma_wait3A_126 = tpu.memref_squeeze %dma_wait3A_125 : memref<1x40xi32, #tpu.memory_space<vmem>> -> memref<40xi32, #tpu.memory_space<vmem>>
    %dma_wait3A_127 = tpu.memref_slice %arg3[%add3A_118] : memref<320000xi32, #tpu.memory_space<hbm>> -> memref<40xi32, #tpu.memory_space<hbm>>
    tpu.wait_dma2 semaphore(%arg18 : memref<!tpu.dma_semaphore, #tpu.memory_space<semaphore_mem>>) src(%dma_wait3A_127 : memref<40xi32, #tpu.memory_space<hbm>>) dst(%dma_wait3A_126 : memref<40xi32, #tpu.memory_space<vmem>>)
    %dma_start3A_128 = arith.constant 2 : i32
    %dma_start3A_129 = arith.constant 0 : i32
    %dma_start3A_130 = tpu.memref_slice %arg7[%dma_start3A_128, %dma_start3A_129] : memref<6x40xi32, #tpu.memory_space<vmem>> -> memref<1x40xi32, #tpu.memory_space<vmem>>
    %dma_start3A_131 = tpu.memref_squeeze %dma_start3A_130 : memref<1x40xi32, #tpu.memory_space<vmem>> -> memref<40xi32, #tpu.memory_space<vmem>>
    %dma_start3A_132 = arith.constant 0 : i32
    %dma_start3A_133 = arith.constant 0 : i32
    %dma_start3A_134 = tpu.memref_slice %arg2[%dma_start3A_132, %dma_start3A_133] : memref<10000x128xf32, #tpu.memory_space<hbm>> -> memref<10000x128xf32, #tpu.memory_space<hbm>>
    tpu.enqueue_indirect_dma source(%dma_start3A_134 : memref<10000x128xf32, #tpu.memory_space<hbm>>) target(%arg11 : memref<40x128xf32, #tpu.memory_space<vmem>>) offsets(%dma_start3A_131 : memref<40xi32, #tpu.memory_space<vmem>>) semaphore(%arg24 : memref<!tpu.dma_semaphore, #tpu.memory_space<semaphore_mem>>)
    %add3A_135 = arith.constant 120 : i32
    %add3A_136 = arith.addi %mul3A_2, %add3A_135 : i32
    %dma_wait3A_137 = arith.constant 3 : i32
    %dma_wait3A_138 = arith.constant 0 : i32
    %dma_wait3A_139 = tpu.memref_slice %arg7[%dma_wait3A_137, %dma_wait3A_138] : memref<6x40xi32, #tpu.memory_space<vmem>> -> memref<1x40xi32, #tpu.memory_space<vmem>>
    %dma_wait3A_140 = tpu.memref_squeeze %dma_wait3A_139 : memref<1x40xi32, #tpu.memory_space<vmem>> -> memref<40xi32, #tpu.memory_space<vmem>>
    %dma_wait3A_141 = tpu.memref_slice %arg3[%add3A_136] : memref<320000xi32, #tpu.memory_space<hbm>> -> memref<40xi32, #tpu.memory_space<hbm>>
    %dma_wait3A_142 = arith.constant 0 : i32
    %dma_wait3A_143 = tpu.memref_slice %arg7[%dma_wait3A_137, %dma_wait3A_142] : memref<6x40xi32, #tpu.memory_space<vmem>> -> memref<1x40xi32, #tpu.memory_space<vmem>>
    %dma_wait3A_144 = tpu.memref_squeeze %dma_wait3A_143 : memref<1x40xi32, #tpu.memory_space<vmem>> -> memref<40xi32, #tpu.memory_space<vmem>>
    %dma_wait3A_145 = tpu.memref_slice %arg3[%add3A_136] : memref<320000xi32, #tpu.memory_space<hbm>> -> memref<40xi32, #tpu.memory_space<hbm>>
    tpu.wait_dma2 semaphore(%arg19 : memref<!tpu.dma_semaphore, #tpu.memory_space<semaphore_mem>>) src(%dma_wait3A_145 : memref<40xi32, #tpu.memory_space<hbm>>) dst(%dma_wait3A_144 : memref<40xi32, #tpu.memory_space<vmem>>)
    %dma_start3A_146 = arith.constant 3 : i32
    %dma_start3A_147 = arith.constant 0 : i32
    %dma_start3A_148 = tpu.memref_slice %arg7[%dma_start3A_146, %dma_start3A_147] : memref<6x40xi32, #tpu.memory_space<vmem>> -> memref<1x40xi32, #tpu.memory_space<vmem>>
    %dma_start3A_149 = tpu.memref_squeeze %dma_start3A_148 : memref<1x40xi32, #tpu.memory_space<vmem>> -> memref<40xi32, #tpu.memory_space<vmem>>
    %dma_start3A_150 = arith.constant 0 : i32
    %dma_start3A_151 = arith.constant 0 : i32
    %dma_start3A_152 = tpu.memref_slice %arg2[%dma_start3A_150, %dma_start3A_151] : memref<10000x128xf32, #tpu.memory_space<hbm>> -> memref<10000x128xf32, #tpu.memory_space<hbm>>
    tpu.enqueue_indirect_dma source(%dma_start3A_152 : memref<10000x128xf32, #tpu.memory_space<hbm>>) target(%arg12 : memref<40x128xf32, #tpu.memory_space<vmem>>) offsets(%dma_start3A_149 : memref<40xi32, #tpu.memory_space<vmem>>) semaphore(%arg25 : memref<!tpu.dma_semaphore, #tpu.memory_space<semaphore_mem>>)
    %mul3A_153 = arith.constant 640 : i32
    %mul3A_154 = arith.muli %arg1, %mul3A_153 : i32
    %add3A_155 = arith.constant 0 : i32
    %add3A_156 = arith.addi %mul3A_154, %add3A_155 : i32
    %dma_start3A_157 = arith.constant 0 : i32
    %dma_start3A_158 = tpu.memref_slice %arg15[%add3A_156, %dma_start3A_157] : memref<10240x128xf32, #tpu.memory_space<vmem_shared>> -> memref<40x128xf32, #tpu.memory_space<vmem_shared>>
    %dma_start3A_159 = arith.constant 0 : i32
    %dma_start3A_160 = tpu.memref_slice %arg15[%add3A_156, %dma_start3A_159] : memref<10240x128xf32, #tpu.memory_space<vmem_shared>> -> memref<40x128xf32, #tpu.memory_space<vmem_shared>>
    tpu.enqueue_dma source(%arg13 : memref<40x128xf32, #tpu.memory_space<vmem>>) target(%dma_start3A_160 : memref<40x128xf32, #tpu.memory_space<vmem_shared>>) target_semaphore(%arg28 : memref<!tpu.dma_semaphore, #tpu.memory_space<semaphore_mem>>)
    %mul3A_161 = arith.constant 640 : i32
    %mul3A_162 = arith.muli %arg1, %mul3A_161 : i32
    %add3A_163 = arith.constant 40 : i32
    %add3A_164 = arith.addi %mul3A_162, %add3A_163 : i32
    %dma_start3A_165 = arith.constant 0 : i32
    %dma_start3A_166 = tpu.memref_slice %arg15[%add3A_164, %dma_start3A_165] : memref<10240x128xf32, #tpu.memory_space<vmem_shared>> -> memref<40x128xf32, #tpu.memory_space<vmem_shared>>
    %dma_start3A_167 = arith.constant 0 : i32
    %dma_start3A_168 = tpu.memref_slice %arg15[%add3A_164, %dma_start3A_167] : memref<10240x128xf32, #tpu.memory_space<vmem_shared>> -> memref<40x128xf32, #tpu.memory_space<vmem_shared>>
    tpu.enqueue_dma source(%arg13 : memref<40x128xf32, #tpu.memory_space<vmem>>) target(%dma_start3A_168 : memref<40x128xf32, #tpu.memory_space<vmem_shared>>) target_semaphore(%arg29 : memref<!tpu.dma_semaphore, #tpu.memory_space<semaphore_mem>>)
    %mul3A_169 = arith.constant 640 : i32
    %mul3A_170 = arith.muli %arg1, %mul3A_169 : i32
    %add3A_171 = arith.constant 80 : i32
    %add3A_172 = arith.addi %mul3A_170, %add3A_171 : i32
    %dma_start3A_173 = arith.constant 0 : i32
    %dma_start3A_174 = tpu.memref_slice %arg15[%add3A_172, %dma_start3A_173] : memref<10240x128xf32, #tpu.memory_space<vmem_shared>> -> memref<40x128xf32, #tpu.memory_space<vmem_shared>>
    %dma_start3A_175 = arith.constant 0 : i32
    %dma_start3A_176 = tpu.memref_slice %arg15[%add3A_172, %dma_start3A_175] : memref<10240x128xf32, #tpu.memory_space<vmem_shared>> -> memref<40x128xf32, #tpu.memory_space<vmem_shared>>
    tpu.enqueue_dma source(%arg13 : memref<40x128xf32, #tpu.memory_space<vmem>>) target(%dma_start3A_176 : memref<40x128xf32, #tpu.memory_space<vmem_shared>>) target_semaphore(%arg30 : memref<!tpu.dma_semaphore, #tpu.memory_space<semaphore_mem>>)
    %mul3A_177 = arith.constant 640 : i32
    %mul3A_178 = arith.muli %arg1, %mul3A_177 : i32
    %add3A_179 = arith.constant 120 : i32
    %add3A_180 = arith.addi %mul3A_178, %add3A_179 : i32
    %dma_start3A_181 = arith.constant 0 : i32
    %dma_start3A_182 = tpu.memref_slice %arg15[%add3A_180, %dma_start3A_181] : memref<10240x128xf32, #tpu.memory_space<vmem_shared>> -> memref<40x128xf32, #tpu.memory_space<vmem_shared>>
    %dma_start3A_183 = arith.constant 0 : i32
    %dma_start3A_184 = tpu.memref_slice %arg15[%add3A_180, %dma_start3A_183] : memref<10240x128xf32, #tpu.memory_space<vmem_shared>> -> memref<40x128xf32, #tpu.memory_space<vmem_shared>>
    tpu.enqueue_dma source(%arg13 : memref<40x128xf32, #tpu.memory_space<vmem>>) target(%dma_start3A_184 : memref<40x128xf32, #tpu.memory_space<vmem_shared>>) target_semaphore(%arg31 : memref<!tpu.dma_semaphore, #tpu.memory_space<semaphore_mem>>)
    %mul3A_185 = arith.constant 640 : i32
    %mul3A_186 = arith.muli %arg1, %mul3A_185 : i32
    %add3A_187 = arith.constant 160 : i32
    %add3A_188 = arith.addi %mul3A_186, %add3A_187 : i32
    %dma_start3A_189 = arith.constant 0 : i32
    %dma_start3A_190 = tpu.memref_slice %arg15[%add3A_188, %dma_start3A_189] : memref<10240x128xf32, #tpu.memory_space<vmem_shared>> -> memref<40x128xf32, #tpu.memory_space<vmem_shared>>
    %dma_start3A_191 = arith.constant 0 : i32
    %dma_start3A_192 = tpu.memref_slice %arg15[%add3A_188, %dma_start3A_191] : memref<10240x128xf32, #tpu.memory_space<vmem_shared>> -> memref<40x128xf32, #tpu.memory_space<vmem_shared>>
    tpu.enqueue_dma source(%arg13 : memref<40x128xf32, #tpu.memory_space<vmem>>) target(%dma_start3A_192 : memref<40x128xf32, #tpu.memory_space<vmem_shared>>) target_semaphore(%arg32 : memref<!tpu.dma_semaphore, #tpu.memory_space<semaphore_mem>>)
    %mul3A_193 = arith.constant 640 : i32
    %mul3A_194 = arith.muli %arg1, %mul3A_193 : i32
    %add3A_195 = arith.constant 200 : i32
    %add3A_196 = arith.addi %mul3A_194, %add3A_195 : i32
    %dma_start3A_197 = arith.constant 0 : i32
    %dma_start3A_198 = tpu.memref_slice %arg15[%add3A_196, %dma_start3A_197] : memref<10240x128xf32, #tpu.memory_space<vmem_shared>> -> memref<40x128xf32, #tpu.memory_space<vmem_shared>>
    %dma_start3A_199 = arith.constant 0 : i32
    %dma_start3A_200 = tpu.memref_slice %arg15[%add3A_196, %dma_start3A_199] : memref<10240x128xf32, #tpu.memory_space<vmem_shared>> -> memref<40x128xf32, #tpu.memory_space<vmem_shared>>
    tpu.enqueue_dma source(%arg13 : memref<40x128xf32, #tpu.memory_space<vmem>>) target(%dma_start3A_200 : memref<40x128xf32, #tpu.memory_space<vmem_shared>>) target_semaphore(%arg33 : memref<!tpu.dma_semaphore, #tpu.memory_space<semaphore_mem>>)
    %mul3A_201 = arith.constant 640 : i32
    %mul3A_202 = arith.muli %arg1, %mul3A_201 : i32
    %add3A_203 = arith.constant 240 : i32
    %add3A_204 = arith.addi %mul3A_202, %add3A_203 : i32
    %dma_start3A_205 = arith.constant 0 : i32
    %dma_start3A_206 = tpu.memref_slice %arg15[%add3A_204, %dma_start3A_205] : memref<10240x128xf32, #tpu.memory_space<vmem_shared>> -> memref<40x128xf32, #tpu.memory_space<vmem_shared>>
    %dma_start3A_207 = arith.constant 0 : i32
    %dma_start3A_208 = tpu.memref_slice %arg15[%add3A_204, %dma_start3A_207] : memref<10240x128xf32, #tpu.memory_space<vmem_shared>> -> memref<40x128xf32, #tpu.memory_space<vmem_shared>>
    tpu.enqueue_dma source(%arg13 : memref<40x128xf32, #tpu.memory_space<vmem>>) target(%dma_start3A_208 : memref<40x128xf32, #tpu.memory_space<vmem_shared>>) target_semaphore(%arg28 : memref<!tpu.dma_semaphore, #tpu.memory_space<semaphore_mem>>)
    %mul3A_209 = arith.constant 640 : i32
    %mul3A_210 = arith.muli %arg1, %mul3A_209 : i32
    %add3A_211 = arith.constant 280 : i32
    %add3A_212 = arith.addi %mul3A_210, %add3A_211 : i32
    %dma_start3A_213 = arith.constant 0 : i32
    %dma_start3A_214 = tpu.memref_slice %arg15[%add3A_212, %dma_start3A_213] : memref<10240x128xf32, #tpu.memory_space<vmem_shared>> -> memref<40x128xf32, #tpu.memory_space<vmem_shared>>
    %dma_start3A_215 = arith.constant 0 : i32
    %dma_start3A_216 = tpu.memref_slice %arg15[%add3A_212, %dma_start3A_215] : memref<10240x128xf32, #tpu.memory_space<vmem_shared>> -> memref<40x128xf32, #tpu.memory_space<vmem_shared>>
    tpu.enqueue_dma source(%arg13 : memref<40x128xf32, #tpu.memory_space<vmem>>) target(%dma_start3A_216 : memref<40x128xf32, #tpu.memory_space<vmem_shared>>) target_semaphore(%arg29 : memref<!tpu.dma_semaphore, #tpu.memory_space<semaphore_mem>>)
    %mul3A_217 = arith.constant 640 : i32
    %mul3A_218 = arith.muli %arg1, %mul3A_217 : i32
    %add3A_219 = arith.constant 320 : i32
    %add3A_220 = arith.addi %mul3A_218, %add3A_219 : i32
    %dma_start3A_221 = arith.constant 0 : i32
    %dma_start3A_222 = tpu.memref_slice %arg15[%add3A_220, %dma_start3A_221] : memref<10240x128xf32, #tpu.memory_space<vmem_shared>> -> memref<40x128xf32, #tpu.memory_space<vmem_shared>>
    %dma_start3A_223 = arith.constant 0 : i32
    %dma_start3A_224 = tpu.memref_slice %arg15[%add3A_220, %dma_start3A_223] : memref<10240x128xf32, #tpu.memory_space<vmem_shared>> -> memref<40x128xf32, #tpu.memory_space<vmem_shared>>
    tpu.enqueue_dma source(%arg13 : memref<40x128xf32, #tpu.memory_space<vmem>>) target(%dma_start3A_224 : memref<40x128xf32, #tpu.memory_space<vmem_shared>>) target_semaphore(%arg30 : memref<!tpu.dma_semaphore, #tpu.memory_space<semaphore_mem>>)
    %mul3A_225 = arith.constant 640 : i32
    %mul3A_226 = arith.muli %arg1, %mul3A_225 : i32
    %add3A_227 = arith.constant 360 : i32
    %add3A_228 = arith.addi %mul3A_226, %add3A_227 : i32
    %dma_start3A_229 = arith.constant 0 : i32
    %dma_start3A_230 = tpu.memref_slice %arg15[%add3A_228, %dma_start3A_229] : memref<10240x128xf32, #tpu.memory_space<vmem_shared>> -> memref<40x128xf32, #tpu.memory_space<vmem_shared>>
    %dma_start3A_231 = arith.constant 0 : i32
    %dma_start3A_232 = tpu.memref_slice %arg15[%add3A_228, %dma_start3A_231] : memref<10240x128xf32, #tpu.memory_space<vmem_shared>> -> memref<40x128xf32, #tpu.memory_space<vmem_shared>>
    tpu.enqueue_dma source(%arg13 : memref<40x128xf32, #tpu.memory_space<vmem>>) target(%dma_start3A_232 : memref<40x128xf32, #tpu.memory_space<vmem_shared>>) target_semaphore(%arg31 : memref<!tpu.dma_semaphore, #tpu.memory_space<semaphore_mem>>)
    %mul3A_233 = arith.constant 640 : i32
    %mul3A_234 = arith.muli %arg1, %mul3A_233 : i32
    %add3A_235 = arith.constant 400 : i32
    %add3A_236 = arith.addi %mul3A_234, %add3A_235 : i32
    %dma_start3A_237 = arith.constant 0 : i32
    %dma_start3A_238 = tpu.memref_slice %arg15[%add3A_236, %dma_start3A_237] : memref<10240x128xf32, #tpu.memory_space<vmem_shared>> -> memref<40x128xf32, #tpu.memory_space<vmem_shared>>
    %dma_start3A_239 = arith.constant 0 : i32
    %dma_start3A_240 = tpu.memref_slice %arg15[%add3A_236, %dma_start3A_239] : memref<10240x128xf32, #tpu.memory_space<vmem_shared>> -> memref<40x128xf32, #tpu.memory_space<vmem_shared>>
    tpu.enqueue_dma source(%arg13 : memref<40x128xf32, #tpu.memory_space<vmem>>) target(%dma_start3A_240 : memref<40x128xf32, #tpu.memory_space<vmem_shared>>) target_semaphore(%arg32 : memref<!tpu.dma_semaphore, #tpu.memory_space<semaphore_mem>>)
    %mul3A_241 = arith.constant 640 : i32
    %mul3A_242 = arith.muli %arg1, %mul3A_241 : i32
    %add3A_243 = arith.constant 440 : i32
    %add3A_244 = arith.addi %mul3A_242, %add3A_243 : i32
    %dma_start3A_245 = arith.constant 0 : i32
    %dma_start3A_246 = tpu.memref_slice %arg15[%add3A_244, %dma_start3A_245] : memref<10240x128xf32, #tpu.memory_space<vmem_shared>> -> memref<40x128xf32, #tpu.memory_space<vmem_shared>>
    %dma_start3A_247 = arith.constant 0 : i32
    %dma_start3A_248 = tpu.memref_slice %arg15[%add3A_244, %dma_start3A_247] : memref<10240x128xf32, #tpu.memory_space<vmem_shared>> -> memref<40x128xf32, #tpu.memory_space<vmem_shared>>
    tpu.enqueue_dma source(%arg13 : memref<40x128xf32, #tpu.memory_space<vmem>>) target(%dma_start3A_248 : memref<40x128xf32, #tpu.memory_space<vmem_shared>>) target_semaphore(%arg33 : memref<!tpu.dma_semaphore, #tpu.memory_space<semaphore_mem>>)
    %mul3A_249 = arith.constant 640 : i32
    %mul3A_250 = arith.muli %arg1, %mul3A_249 : i32
    %add3A_251 = arith.constant 480 : i32
    %add3A_252 = arith.addi %mul3A_250, %add3A_251 : i32
    %dma_start3A_253 = arith.constant 0 : i32
    %dma_start3A_254 = tpu.memref_slice %arg15[%add3A_252, %dma_start3A_253] : memref<10240x128xf32, #tpu.memory_space<vmem_shared>> -> memref<40x128xf32, #tpu.memory_space<vmem_shared>>
    %dma_start3A_255 = arith.constant 0 : i32
    %dma_start3A_256 = tpu.memref_slice %arg15[%add3A_252, %dma_start3A_255] : memref<10240x128xf32, #tpu.memory_space<vmem_shared>> -> memref<40x128xf32, #tpu.memory_space<vmem_shared>>
    tpu.enqueue_dma source(%arg13 : memref<40x128xf32, #tpu.memory_space<vmem>>) target(%dma_start3A_256 : memref<40x128xf32, #tpu.memory_space<vmem_shared>>) target_semaphore(%arg28 : memref<!tpu.dma_semaphore, #tpu.memory_space<semaphore_mem>>)
    %mul3A_257 = arith.constant 640 : i32
    %mul3A_258 = arith.muli %arg1, %mul3A_257 : i32
    %add3A_259 = arith.constant 520 : i32
    %add3A_260 = arith.addi %mul3A_258, %add3A_259 : i32
    %dma_start3A_261 = arith.constant 0 : i32
    %dma_start3A_262 = tpu.memref_slice %arg15[%add3A_260, %dma_start3A_261] : memref<10240x128xf32, #tpu.memory_space<vmem_shared>> -> memref<40x128xf32, #tpu.memory_space<vmem_shared>>
    %dma_start3A_263 = arith.constant 0 : i32
    %dma_start3A_264 = tpu.memref_slice %arg15[%add3A_260, %dma_start3A_263] : memref<10240x128xf32, #tpu.memory_space<vmem_shared>> -> memref<40x128xf32, #tpu.memory_space<vmem_shared>>
    tpu.enqueue_dma source(%arg13 : memref<40x128xf32, #tpu.memory_space<vmem>>) target(%dma_start3A_264 : memref<40x128xf32, #tpu.memory_space<vmem_shared>>) target_semaphore(%arg29 : memref<!tpu.dma_semaphore, #tpu.memory_space<semaphore_mem>>)
    %mul3A_265 = arith.constant 640 : i32
    %mul3A_266 = arith.muli %arg1, %mul3A_265 : i32
    %add3A_267 = arith.constant 560 : i32
    %add3A_268 = arith.addi %mul3A_266, %add3A_267 : i32
    %dma_start3A_269 = arith.constant 0 : i32
    %dma_start3A_270 = tpu.memref_slice %arg15[%add3A_268, %dma_start3A_269] : memref<10240x128xf32, #tpu.memory_space<vmem_shared>> -> memref<40x128xf32, #tpu.memory_space<vmem_shared>>
    %dma_start3A_271 = arith.constant 0 : i32
    %dma_start3A_272 = tpu.memref_slice %arg15[%add3A_268, %dma_start3A_271] : memref<10240x128xf32, #tpu.memory_space<vmem_shared>> -> memref<40x128xf32, #tpu.memory_space<vmem_shared>>
    tpu.enqueue_dma source(%arg13 : memref<40x128xf32, #tpu.memory_space<vmem>>) target(%dma_start3A_272 : memref<40x128xf32, #tpu.memory_space<vmem_shared>>) target_semaphore(%arg30 : memref<!tpu.dma_semaphore, #tpu.memory_space<semaphore_mem>>)
    %mul3A_273 = arith.constant 640 : i32
    %mul3A_274 = arith.muli %arg1, %mul3A_273 : i32
    %add3A_275 = arith.constant 600 : i32
    %add3A_276 = arith.addi %mul3A_274, %add3A_275 : i32
    %dma_start3A_277 = arith.constant 0 : i32
    %dma_start3A_278 = tpu.memref_slice %arg15[%add3A_276, %dma_start3A_277] : memref<10240x128xf32, #tpu.memory_space<vmem_shared>> -> memref<40x128xf32, #tpu.memory_space<vmem_shared>>
    %dma_start3A_279 = arith.constant 0 : i32
    %dma_start3A_280 = tpu.memref_slice %arg15[%add3A_276, %dma_start3A_279] : memref<10240x128xf32, #tpu.memory_space<vmem_shared>> -> memref<40x128xf32, #tpu.memory_space<vmem_shared>>
    tpu.enqueue_dma source(%arg13 : memref<40x128xf32, #tpu.memory_space<vmem>>) target(%dma_start3A_280 : memref<40x128xf32, #tpu.memory_space<vmem_shared>>) target_semaphore(%arg31 : memref<!tpu.dma_semaphore, #tpu.memory_space<semaphore_mem>>)
    %mul3A_281 = arith.constant 640 : i32
    %mul3A_282 = arith.muli %arg1, %mul3A_281 : i32
    %add3A_283 = arith.constant 0 : i32
    %add3A_284 = arith.addi %mul3A_282, %add3A_283 : i32
    %dma_wait3A_285 = arith.constant 0 : i32
    %dma_wait3A_286 = tpu.memref_slice %arg15[%add3A_284, %dma_wait3A_285] : memref<10240x128xf32, #tpu.memory_space<vmem_shared>> -> memref<40x128xf32, #tpu.memory_space<vmem_shared>>
    %dma_wait3A_287 = arith.constant 0 : i32
    %dma_wait3A_288 = tpu.memref_slice %arg15[%add3A_284, %dma_wait3A_287] : memref<10240x128xf32, #tpu.memory_space<vmem_shared>> -> memref<40x128xf32, #tpu.memory_space<vmem_shared>>
    tpu.wait_dma2 semaphore(%arg28 : memref<!tpu.dma_semaphore, #tpu.memory_space<semaphore_mem>>) src(%arg13 : memref<40x128xf32, #tpu.memory_space<vmem>>) dst(%dma_wait3A_288 : memref<40x128xf32, #tpu.memory_space<vmem_shared>>)
    %mul3A_289 = arith.constant 640 : i32
    %mul3A_290 = arith.muli %arg1, %mul3A_289 : i32
    %add3A_291 = arith.constant 40 : i32
    %add3A_292 = arith.addi %mul3A_290, %add3A_291 : i32
    %dma_wait3A_293 = arith.constant 0 : i32
    %dma_wait3A_294 = tpu.memref_slice %arg15[%add3A_292, %dma_wait3A_293] : memref<10240x128xf32, #tpu.memory_space<vmem_shared>> -> memref<40x128xf32, #tpu.memory_space<vmem_shared>>
    %dma_wait3A_295 = arith.constant 0 : i32
    %dma_wait3A_296 = tpu.memref_slice %arg15[%add3A_292, %dma_wait3A_295] : memref<10240x128xf32, #tpu.memory_space<vmem_shared>> -> memref<40x128xf32, #tpu.memory_space<vmem_shared>>
    tpu.wait_dma2 semaphore(%arg29 : memref<!tpu.dma_semaphore, #tpu.memory_space<semaphore_mem>>) src(%arg13 : memref<40x128xf32, #tpu.memory_space<vmem>>) dst(%dma_wait3A_296 : memref<40x128xf32, #tpu.memory_space<vmem_shared>>)
    %mul3A_297 = arith.constant 640 : i32
    %mul3A_298 = arith.muli %arg1, %mul3A_297 : i32
    %add3A_299 = arith.constant 80 : i32
    %add3A_300 = arith.addi %mul3A_298, %add3A_299 : i32
    %dma_wait3A_301 = arith.constant 0 : i32
    %dma_wait3A_302 = tpu.memref_slice %arg15[%add3A_300, %dma_wait3A_301] : memref<10240x128xf32, #tpu.memory_space<vmem_shared>> -> memref<40x128xf32, #tpu.memory_space<vmem_shared>>
    %dma_wait3A_303 = arith.constant 0 : i32
    %dma_wait3A_304 = tpu.memref_slice %arg15[%add3A_300, %dma_wait3A_303] : memref<10240x128xf32, #tpu.memory_space<vmem_shared>> -> memref<40x128xf32, #tpu.memory_space<vmem_shared>>
    tpu.wait_dma2 semaphore(%arg30 : memref<!tpu.dma_semaphore, #tpu.memory_space<semaphore_mem>>) src(%arg13 : memref<40x128xf32, #tpu.memory_space<vmem>>) dst(%dma_wait3A_304 : memref<40x128xf32, #tpu.memory_space<vmem_shared>>)
    %mul3A_305 = arith.constant 640 : i32
    %mul3A_306 = arith.muli %arg1, %mul3A_305 : i32
    %add3A_307 = arith.constant 120 : i32
    %add3A_308 = arith.addi %mul3A_306, %add3A_307 : i32
    %dma_wait3A_309 = arith.constant 0 : i32
    %dma_wait3A_310 = tpu.memref_slice %arg15[%add3A_308, %dma_wait3A_309] : memref<10240x128xf32, #tpu.memory_space<vmem_shared>> -> memref<40x128xf32, #tpu.memory_space<vmem_shared>>
    %dma_wait3A_311 = arith.constant 0 : i32
    %dma_wait3A_312 = tpu.memref_slice %arg15[%add3A_308, %dma_wait3A_311] : memref<10240x128xf32, #tpu.memory_space<vmem_shared>> -> memref<40x128xf32, #tpu.memory_space<vmem_shared>>
    tpu.wait_dma2 semaphore(%arg31 : memref<!tpu.dma_semaphore, #tpu.memory_space<semaphore_mem>>) src(%arg13 : memref<40x128xf32, #tpu.memory_space<vmem>>) dst(%dma_wait3A_312 : memref<40x128xf32, #tpu.memory_space<vmem_shared>>)
    %mul3A_313 = arith.constant 640 : i32
    %mul3A_314 = arith.muli %arg1, %mul3A_313 : i32
    %add3A_315 = arith.constant 160 : i32
    %add3A_316 = arith.addi %mul3A_314, %add3A_315 : i32
    %dma_wait3A_317 = arith.constant 0 : i32
    %dma_wait3A_318 = tpu.memref_slice %arg15[%add3A_316, %dma_wait3A_317] : memref<10240x128xf32, #tpu.memory_space<vmem_shared>> -> memref<40x128xf32, #tpu.memory_space<vmem_shared>>
    %dma_wait3A_319 = arith.constant 0 : i32
    %dma_wait3A_320 = tpu.memref_slice %arg15[%add3A_316, %dma_wait3A_319] : memref<10240x128xf32, #tpu.memory_space<vmem_shared>> -> memref<40x128xf32, #tpu.memory_space<vmem_shared>>
    tpu.wait_dma2 semaphore(%arg32 : memref<!tpu.dma_semaphore, #tpu.memory_space<semaphore_mem>>) src(%arg13 : memref<40x128xf32, #tpu.memory_space<vmem>>) dst(%dma_wait3A_320 : memref<40x128xf32, #tpu.memory_space<vmem_shared>>)
    %mul3A_321 = arith.constant 640 : i32
    %mul3A_322 = arith.muli %arg1, %mul3A_321 : i32
    %add3A_323 = arith.constant 200 : i32
    %add3A_324 = arith.addi %mul3A_322, %add3A_323 : i32
    %dma_wait3A_325 = arith.constant 0 : i32
    %dma_wait3A_326 = tpu.memref_slice %arg15[%add3A_324, %dma_wait3A_325] : memref<10240x128xf32, #tpu.memory_space<vmem_shared>> -> memref<40x128xf32, #tpu.memory_space<vmem_shared>>
    %dma_wait3A_327 = arith.constant 0 : i32
    %dma_wait3A_328 = tpu.memref_slice %arg15[%add3A_324, %dma_wait3A_327] : memref<10240x128xf32, #tpu.memory_space<vmem_shared>> -> memref<40x128xf32, #tpu.memory_space<vmem_shared>>
    tpu.wait_dma2 semaphore(%arg33 : memref<!tpu.dma_semaphore, #tpu.memory_space<semaphore_mem>>) src(%arg13 : memref<40x128xf32, #tpu.memory_space<vmem>>) dst(%dma_wait3A_328 : memref<40x128xf32, #tpu.memory_space<vmem_shared>>)
    %mul3A_329 = arith.constant 640 : i32
    %mul3A_330 = arith.muli %arg1, %mul3A_329 : i32
    %add3A_331 = arith.constant 240 : i32
    %add3A_332 = arith.addi %mul3A_330, %add3A_331 : i32
    %dma_wait3A_333 = arith.constant 0 : i32
    %dma_wait3A_334 = tpu.memref_slice %arg15[%add3A_332, %dma_wait3A_333] : memref<10240x128xf32, #tpu.memory_space<vmem_shared>> -> memref<40x128xf32, #tpu.memory_space<vmem_shared>>
    %dma_wait3A_335 = arith.constant 0 : i32
    %dma_wait3A_336 = tpu.memref_slice %arg15[%add3A_332, %dma_wait3A_335] : memref<10240x128xf32, #tpu.memory_space<vmem_shared>> -> memref<40x128xf32, #tpu.memory_space<vmem_shared>>
    tpu.wait_dma2 semaphore(%arg28 : memref<!tpu.dma_semaphore, #tpu.memory_space<semaphore_mem>>) src(%arg13 : memref<40x128xf32, #tpu.memory_space<vmem>>) dst(%dma_wait3A_336 : memref<40x128xf32, #tpu.memory_space<vmem_shared>>)
    %mul3A_337 = arith.constant 640 : i32
    %mul3A_338 = arith.muli %arg1, %mul3A_337 : i32
    %add3A_339 = arith.constant 280 : i32
    %add3A_340 = arith.addi %mul3A_338, %add3A_339 : i32
    %dma_wait3A_341 = arith.constant 0 : i32
    %dma_wait3A_342 = tpu.memref_slice %arg15[%add3A_340, %dma_wait3A_341] : memref<10240x128xf32, #tpu.memory_space<vmem_shared>> -> memref<40x128xf32, #tpu.memory_space<vmem_shared>>
    %dma_wait3A_343 = arith.constant 0 : i32
    %dma_wait3A_344 = tpu.memref_slice %arg15[%add3A_340, %dma_wait3A_343] : memref<10240x128xf32, #tpu.memory_space<vmem_shared>> -> memref<40x128xf32, #tpu.memory_space<vmem_shared>>
    tpu.wait_dma2 semaphore(%arg29 : memref<!tpu.dma_semaphore, #tpu.memory_space<semaphore_mem>>) src(%arg13 : memref<40x128xf32, #tpu.memory_space<vmem>>) dst(%dma_wait3A_344 : memref<40x128xf32, #tpu.memory_space<vmem_shared>>)
    %mul3A_345 = arith.constant 640 : i32
    %mul3A_346 = arith.muli %arg1, %mul3A_345 : i32
    %add3A_347 = arith.constant 320 : i32
    %add3A_348 = arith.addi %mul3A_346, %add3A_347 : i32
    %dma_wait3A_349 = arith.constant 0 : i32
    %dma_wait3A_350 = tpu.memref_slice %arg15[%add3A_348, %dma_wait3A_349] : memref<10240x128xf32, #tpu.memory_space<vmem_shared>> -> memref<40x128xf32, #tpu.memory_space<vmem_shared>>
    %dma_wait3A_351 = arith.constant 0 : i32
    %dma_wait3A_352 = tpu.memref_slice %arg15[%add3A_348, %dma_wait3A_351] : memref<10240x128xf32, #tpu.memory_space<vmem_shared>> -> memref<40x128xf32, #tpu.memory_space<vmem_shared>>
    tpu.wait_dma2 semaphore(%arg30 : memref<!tpu.dma_semaphore, #tpu.memory_space<semaphore_mem>>) src(%arg13 : memref<40x128xf32, #tpu.memory_space<vmem>>) dst(%dma_wait3A_352 : memref<40x128xf32, #tpu.memory_space<vmem_shared>>)
    %mul3A_353 = arith.constant 640 : i32
    %mul3A_354 = arith.muli %arg1, %mul3A_353 : i32
    %add3A_355 = arith.constant 360 : i32
    %add3A_356 = arith.addi %mul3A_354, %add3A_355 : i32
    %dma_wait3A_357 = arith.constant 0 : i32
    %dma_wait3A_358 = tpu.memref_slice %arg15[%add3A_356, %dma_wait3A_357] : memref<10240x128xf32, #tpu.memory_space<vmem_shared>> -> memref<40x128xf32, #tpu.memory_space<vmem_shared>>
    %dma_wait3A_359 = arith.constant 0 : i32
    %dma_wait3A_360 = tpu.memref_slice %arg15[%add3A_356, %dma_wait3A_359] : memref<10240x128xf32, #tpu.memory_space<vmem_shared>> -> memref<40x128xf32, #tpu.memory_space<vmem_shared>>
    tpu.wait_dma2 semaphore(%arg31 : memref<!tpu.dma_semaphore, #tpu.memory_space<semaphore_mem>>) src(%arg13 : memref<40x128xf32, #tpu.memory_space<vmem>>) dst(%dma_wait3A_360 : memref<40x128xf32, #tpu.memory_space<vmem_shared>>)
    %mul3A_361 = arith.constant 640 : i32
    %mul3A_362 = arith.muli %arg1, %mul3A_361 : i32
    %add3A_363 = arith.constant 400 : i32
    %add3A_364 = arith.addi %mul3A_362, %add3A_363 : i32
    %dma_wait3A_365 = arith.constant 0 : i32
    %dma_wait3A_366 = tpu.memref_slice %arg15[%add3A_364, %dma_wait3A_365] : memref<10240x128xf32, #tpu.memory_space<vmem_shared>> -> memref<40x128xf32, #tpu.memory_space<vmem_shared>>
    %dma_wait3A_367 = arith.constant 0 : i32
    %dma_wait3A_368 = tpu.memref_slice %arg15[%add3A_364, %dma_wait3A_367] : memref<10240x128xf32, #tpu.memory_space<vmem_shared>> -> memref<40x128xf32, #tpu.memory_space<vmem_shared>>
    tpu.wait_dma2 semaphore(%arg32 : memref<!tpu.dma_semaphore, #tpu.memory_space<semaphore_mem>>) src(%arg13 : memref<40x128xf32, #tpu.memory_space<vmem>>) dst(%dma_wait3A_368 : memref<40x128xf32, #tpu.memory_space<vmem_shared>>)
    %mul3A_369 = arith.constant 640 : i32
    %mul3A_370 = arith.muli %arg1, %mul3A_369 : i32
    %add3A_371 = arith.constant 440 : i32
    %add3A_372 = arith.addi %mul3A_370, %add3A_371 : i32
    %dma_wait3A_373 = arith.constant 0 : i32
    %dma_wait3A_374 = tpu.memref_slice %arg15[%add3A_372, %dma_wait3A_373] : memref<10240x128xf32, #tpu.memory_space<vmem_shared>> -> memref<40x128xf32, #tpu.memory_space<vmem_shared>>
    %dma_wait3A_375 = arith.constant 0 : i32
    %dma_wait3A_376 = tpu.memref_slice %arg15[%add3A_372, %dma_wait3A_375] : memref<10240x128xf32, #tpu.memory_space<vmem_shared>> -> memref<40x128xf32, #tpu.memory_space<vmem_shared>>
    tpu.wait_dma2 semaphore(%arg33 : memref<!tpu.dma_semaphore, #tpu.memory_space<semaphore_mem>>) src(%arg13 : memref<40x128xf32, #tpu.memory_space<vmem>>) dst(%dma_wait3A_376 : memref<40x128xf32, #tpu.memory_space<vmem_shared>>)
    %mul3A_377 = arith.constant 640 : i32
    %mul3A_378 = arith.muli %arg1, %mul3A_377 : i32
    %add3A_379 = arith.constant 480 : i32
    %add3A_380 = arith.addi %mul3A_378, %add3A_379 : i32
    %dma_wait3A_381 = arith.constant 0 : i32
    %dma_wait3A_382 = tpu.memref_slice %arg15[%add3A_380, %dma_wait3A_381] : memref<10240x128xf32, #tpu.memory_space<vmem_shared>> -> memref<40x128xf32, #tpu.memory_space<vmem_shared>>
    %dma_wait3A_383 = arith.constant 0 : i32
    %dma_wait3A_384 = tpu.memref_slice %arg15[%add3A_380, %dma_wait3A_383] : memref<10240x128xf32, #tpu.memory_space<vmem_shared>> -> memref<40x128xf32, #tpu.memory_space<vmem_shared>>
    tpu.wait_dma2 semaphore(%arg28 : memref<!tpu.dma_semaphore, #tpu.memory_space<semaphore_mem>>) src(%arg13 : memref<40x128xf32, #tpu.memory_space<vmem>>) dst(%dma_wait3A_384 : memref<40x128xf32, #tpu.memory_space<vmem_shared>>)
    %mul3A_385 = arith.constant 640 : i32
    %mul3A_386 = arith.muli %arg1, %mul3A_385 : i32
    %add3A_387 = arith.constant 520 : i32
    %add3A_388 = arith.addi %mul3A_386, %add3A_387 : i32
    %dma_wait3A_389 = arith.constant 0 : i32
    %dma_wait3A_390 = tpu.memref_slice %arg15[%add3A_388, %dma_wait3A_389] : memref<10240x128xf32, #tpu.memory_space<vmem_shared>> -> memref<40x128xf32, #tpu.memory_space<vmem_shared>>
    %dma_wait3A_391 = arith.constant 0 : i32
    %dma_wait3A_392 = tpu.memref_slice %arg15[%add3A_388, %dma_wait3A_391] : memref<10240x128xf32, #tpu.memory_space<vmem_shared>> -> memref<40x128xf32, #tpu.memory_space<vmem_shared>>
    tpu.wait_dma2 semaphore(%arg29 : memref<!tpu.dma_semaphore, #tpu.memory_space<semaphore_mem>>) src(%arg13 : memref<40x128xf32, #tpu.memory_space<vmem>>) dst(%dma_wait3A_392 : memref<40x128xf32, #tpu.memory_space<vmem_shared>>)
    %mul3A_393 = arith.constant 640 : i32
    %mul3A_394 = arith.muli %arg1, %mul3A_393 : i32
    %add3A_395 = arith.constant 560 : i32
    %add3A_396 = arith.addi %mul3A_394, %add3A_395 : i32
    %dma_wait3A_397 = arith.constant 0 : i32
    %dma_wait3A_398 = tpu.memref_slice %arg15[%add3A_396, %dma_wait3A_397] : memref<10240x128xf32, #tpu.memory_space<vmem_shared>> -> memref<40x128xf32, #tpu.memory_space<vmem_shared>>
    %dma_wait3A_399 = arith.constant 0 : i32
    %dma_wait3A_400 = tpu.memref_slice %arg15[%add3A_396, %dma_wait3A_399] : memref<10240x128xf32, #tpu.memory_space<vmem_shared>> -> memref<40x128xf32, #tpu.memory_space<vmem_shared>>
    tpu.wait_dma2 semaphore(%arg30 : memref<!tpu.dma_semaphore, #tpu.memory_space<semaphore_mem>>) src(%arg13 : memref<40x128xf32, #tpu.memory_space<vmem>>) dst(%dma_wait3A_400 : memref<40x128xf32, #tpu.memory_space<vmem_shared>>)
    %mul3A_401 = arith.constant 640 : i32
    %mul3A_402 = arith.muli %arg1, %mul3A_401 : i32
    %add3A_403 = arith.constant 600 : i32
    %add3A_404 = arith.addi %mul3A_402, %add3A_403 : i32
    %dma_wait3A_405 = arith.constant 0 : i32
    %dma_wait3A_406 = tpu.memref_slice %arg15[%add3A_404, %dma_wait3A_405] : memref<10240x128xf32, #tpu.memory_space<vmem_shared>> -> memref<40x128xf32, #tpu.memory_space<vmem_shared>>
    %dma_wait3A_407 = arith.constant 0 : i32
    %dma_wait3A_408 = tpu.memref_slice %arg15[%add3A_404, %dma_wait3A_407] : memref<10240x128xf32, #tpu.memory_space<vmem_shared>> -> memref<40x128xf32, #tpu.memory_space<vmem_shared>>
    tpu.wait_dma2 semaphore(%arg31 : memref<!tpu.dma_semaphore, #tpu.memory_space<semaphore_mem>>) src(%arg13 : memref<40x128xf32, #tpu.memory_space<vmem>>) dst(%dma_wait3A_408 : memref<40x128xf32, #tpu.memory_space<vmem_shared>>)
    %dma_wait3A_409 = arith.constant 0 : i32
    %dma_wait3A_410 = arith.constant 0 : i32
    %dma_wait3A_411 = tpu.memref_slice %arg4[%add3A, %dma_wait3A_409, %dma_wait3A_410] : memref<32x250x40xi32, #tpu.memory_space<hbm>> -> memref<1x250x40xi32, #tpu.memory_space<hbm>>
    %dma_wait3A_412 = tpu.memref_squeeze %dma_wait3A_411 : memref<1x250x40xi32, #tpu.memory_space<hbm>> -> memref<250x40xi32, #tpu.memory_space<hbm>>
    %dma_wait3A_413 = arith.constant 0 : i32
    %dma_wait3A_414 = arith.constant 0 : i32
    %dma_wait3A_415 = tpu.memref_slice %arg4[%add3A, %dma_wait3A_413, %dma_wait3A_414] : memref<32x250x40xi32, #tpu.memory_space<hbm>> -> memref<1x250x40xi32, #tpu.memory_space<hbm>>
    %dma_wait3A_416 = tpu.memref_squeeze %dma_wait3A_415 : memref<1x250x40xi32, #tpu.memory_space<hbm>> -> memref<250x40xi32, #tpu.memory_space<hbm>>
    tpu.wait_dma2 semaphore(%arg22 : memref<!tpu.dma_semaphore, #tpu.memory_space<semaphore_mem>>) src(%dma_wait3A_416 : memref<250x40xi32, #tpu.memory_space<hbm>>) dst(%arg8 : memref<250x40xi32, #tpu.memory_space<vmem>>)
    %barrier3A = arith.constant 0 : index
    tpu.barrier barrier_id(%barrier3A)
    %dma_wait3A_417 = arith.constant 0 : i32
    %dma_wait3A_418 = arith.constant 0 : i32
    %dma_wait3A_419 = tpu.memref_slice %arg7[%dma_wait3A_417, %dma_wait3A_418] : memref<6x40xi32, #tpu.memory_space<vmem>> -> memref<1x40xi32, #tpu.memory_space<vmem>>
    %dma_wait3A_420 = tpu.memref_squeeze %dma_wait3A_419 : memref<1x40xi32, #tpu.memory_space<vmem>> -> memref<40xi32, #tpu.memory_space<vmem>>
    %dma_wait3A_421 = arith.constant 0 : i32
    %dma_wait3A_422 = arith.constant 0 : i32
    %dma_wait3A_423 = tpu.memref_slice %arg2[%dma_wait3A_421, %dma_wait3A_422] : memref<10000x128xf32, #tpu.memory_space<hbm>> -> memref<10000x128xf32, #tpu.memory_space<hbm>>
    tpu.wait_indirect_dma semaphore(%arg22 : memref<!tpu.dma_semaphore, #tpu.memory_space<semaphore_mem>>) src(%dma_wait3A_423 : memref<10000x128xf32, #tpu.memory_space<hbm>>) dst(%arg9 : memref<40x128xf32, #tpu.memory_space<vmem>>)
    %dma_start3A_424 = arith.constant 0 : i32
    %dma_start3A_425 = arith.constant 0 : i32
    %dma_start3A_426 = tpu.memref_slice %arg8[%dma_start3A_424, %dma_start3A_425] : memref<250x40xi32, #tpu.memory_space<vmem>> -> memref<1x40xi32, #tpu.memory_space<vmem>>
    %dma_start3A_427 = tpu.memref_squeeze %dma_start3A_426 : memref<1x40xi32, #tpu.memory_space<vmem>> -> memref<40xi32, #tpu.memory_space<vmem>>
    %dma_start3A_428 = arith.constant 0 : i32
    %dma_start3A_429 = arith.constant 0 : i32
    %dma_start3A_430 = tpu.memref_slice %arg15[%dma_start3A_428, %dma_start3A_429] : memref<10240x128xf32, #tpu.memory_space<vmem_shared>> -> memref<10240x128xf32, #tpu.memory_space<vmem_shared>>
    tpu.enqueue_indirect_dma source(%arg9 : memref<40x128xf32, #tpu.memory_space<vmem>>) target(%dma_start3A_430 : memref<10240x128xf32, #tpu.memory_space<vmem_shared>>) offsets(%dma_start3A_427 : memref<40xi32, #tpu.memory_space<vmem>>) semaphore(%arg28 : memref<!tpu.dma_semaphore, #tpu.memory_space<semaphore_mem>>) {add = true}
    %add3A_431 = arith.constant 240 : i32
    %add3A_432 = arith.addi %mul3A_2, %add3A_431 : i32
    %dma_start3A_433 = arith.constant 0 : i32
    %dma_start3A_434 = arith.constant 0 : i32
    %dma_start3A_435 = tpu.memref_slice %arg7[%dma_start3A_433, %dma_start3A_434] : memref<6x40xi32, #tpu.memory_space<vmem>> -> memref<1x40xi32, #tpu.memory_space<vmem>>
    %dma_start3A_436 = tpu.memref_squeeze %dma_start3A_435 : memref<1x40xi32, #tpu.memory_space<vmem>> -> memref<40xi32, #tpu.memory_space<vmem>>
    %dma_start3A_437 = tpu.memref_slice %arg3[%add3A_432] : memref<320000xi32, #tpu.memory_space<hbm>> -> memref<40xi32, #tpu.memory_space<hbm>>
    %dma_start3A_438 = arith.constant 0 : i32
    %dma_start3A_439 = tpu.memref_slice %arg7[%dma_start3A_433, %dma_start3A_438] : memref<6x40xi32, #tpu.memory_space<vmem>> -> memref<1x40xi32, #tpu.memory_space<vmem>>
    %dma_start3A_440 = tpu.memref_squeeze %dma_start3A_439 : memref<1x40xi32, #tpu.memory_space<vmem>> -> memref<40xi32, #tpu.memory_space<vmem>>
    %dma_start3A_441 = tpu.memref_slice %arg3[%add3A_432] : memref<320000xi32, #tpu.memory_space<hbm>> -> memref<40xi32, #tpu.memory_space<hbm>>
    tpu.enqueue_dma source(%dma_start3A_441 : memref<40xi32, #tpu.memory_space<hbm>>) target(%dma_start3A_440 : memref<40xi32, #tpu.memory_space<vmem>>) target_semaphore(%arg16 : memref<!tpu.dma_semaphore, #tpu.memory_space<semaphore_mem>>)
    %add3A_442 = arith.constant 160 : i32
    %add3A_443 = arith.addi %mul3A_2, %add3A_442 : i32
    %dma_wait3A_444 = arith.constant 4 : i32
    %dma_wait3A_445 = arith.constant 0 : i32
    %dma_wait3A_446 = tpu.memref_slice %arg7[%dma_wait3A_444, %dma_wait3A_445] : memref<6x40xi32, #tpu.memory_space<vmem>> -> memref<1x40xi32, #tpu.memory_space<vmem>>
    %dma_wait3A_447 = tpu.memref_squeeze %dma_wait3A_446 : memref<1x40xi32, #tpu.memory_space<vmem>> -> memref<40xi32, #tpu.memory_space<vmem>>
    %dma_wait3A_448 = tpu.memref_slice %arg3[%add3A_443] : memref<320000xi32, #tpu.memory_space<hbm>> -> memref<40xi32, #tpu.memory_space<hbm>>
    %dma_wait3A_449 = arith.constant 0 : i32
    %dma_wait3A_450 = tpu.memref_slice %arg7[%dma_wait3A_444, %dma_wait3A_449] : memref<6x40xi32, #tpu.memory_space<vmem>> -> memref<1x40xi32, #tpu.memory_space<vmem>>
    %dma_wait3A_451 = tpu.memref_squeeze %dma_wait3A_450 : memref<1x40xi32, #tpu.memory_space<vmem>> -> memref<40xi32, #tpu.memory_space<vmem>>
    %dma_wait3A_452 = tpu.memref_slice %arg3[%add3A_443] : memref<320000xi32, #tpu.memory_space<hbm>> -> memref<40xi32, #tpu.memory_space<hbm>>
    tpu.wait_dma2 semaphore(%arg20 : memref<!tpu.dma_semaphore, #tpu.memory_space<semaphore_mem>>) src(%dma_wait3A_452 : memref<40xi32, #tpu.memory_space<hbm>>) dst(%dma_wait3A_451 : memref<40xi32, #tpu.memory_space<vmem>>)
    %dma_start3A_453 = arith.constant 4 : i32
    %dma_start3A_454 = arith.constant 0 : i32
    %dma_start3A_455 = tpu.memref_slice %arg7[%dma_start3A_453, %dma_start3A_454] : memref<6x40xi32, #tpu.memory_space<vmem>> -> memref<1x40xi32, #tpu.memory_space<vmem>>
    %dma_start3A_456 = tpu.memref_squeeze %dma_start3A_455 : memref<1x40xi32, #tpu.memory_space<vmem>> -> memref<40xi32, #tpu.memory_space<vmem>>
    %dma_start3A_457 = arith.constant 0 : i32
    %dma_start3A_458 = arith.constant 0 : i32
    %dma_start3A_459 = tpu.memref_slice %arg2[%dma_start3A_457, %dma_start3A_458] : memref<10000x128xf32, #tpu.memory_space<hbm>> -> memref<10000x128xf32, #tpu.memory_space<hbm>>
    tpu.enqueue_indirect_dma source(%dma_start3A_459 : memref<10000x128xf32, #tpu.memory_space<hbm>>) target(%arg13 : memref<40x128xf32, #tpu.memory_space<vmem>>) offsets(%dma_start3A_456 : memref<40xi32, #tpu.memory_space<vmem>>) semaphore(%arg26 : memref<!tpu.dma_semaphore, #tpu.memory_space<semaphore_mem>>)
    %dma_wait3A_460 = arith.constant 1 : i32
    %dma_wait3A_461 = arith.constant 0 : i32
    %dma_wait3A_462 = tpu.memref_slice %arg7[%dma_wait3A_460, %dma_wait3A_461] : memref<6x40xi32, #tpu.memory_space<vmem>> -> memref<1x40xi32, #tpu.memory_space<vmem>>
    %dma_wait3A_463 = tpu.memref_squeeze %dma_wait3A_462 : memref<1x40xi32, #tpu.memory_space<vmem>> -> memref<40xi32, #tpu.memory_space<vmem>>
    %dma_wait3A_464 = arith.constant 0 : i32
    %dma_wait3A_465 = arith.constant 0 : i32
    %dma_wait3A_466 = tpu.memref_slice %arg2[%dma_wait3A_464, %dma_wait3A_465] : memref<10000x128xf32, #tpu.memory_space<hbm>> -> memref<10000x128xf32, #tpu.memory_space<hbm>>
    tpu.wait_indirect_dma semaphore(%arg23 : memref<!tpu.dma_semaphore, #tpu.memory_space<semaphore_mem>>) src(%dma_wait3A_466 : memref<10000x128xf32, #tpu.memory_space<hbm>>) dst(%arg10 : memref<40x128xf32, #tpu.memory_space<vmem>>)
    %dma_start3A_467 = arith.constant 1 : i32
    %dma_start3A_468 = arith.constant 0 : i32
    %dma_start3A_469 = tpu.memref_slice %arg8[%dma_start3A_467, %dma_start3A_468] : memref<250x40xi32, #tpu.memory_space<vmem>> -> memref<1x40xi32, #tpu.memory_space<vmem>>
    %dma_start3A_470 = tpu.memref_squeeze %dma_start3A_469 : memref<1x40xi32, #tpu.memory_space<vmem>> -> memref<40xi32, #tpu.memory_space<vmem>>
    %dma_start3A_471 = arith.constant 0 : i32
    %dma_start3A_472 = arith.constant 0 : i32
    %dma_start3A_473 = tpu.memref_slice %arg15[%dma_start3A_471, %dma_start3A_472] : memref<10240x128xf32, #tpu.memory_space<vmem_shared>> -> memref<10240x128xf32, #tpu.memory_space<vmem_shared>>
    tpu.enqueue_indirect_dma source(%arg10 : memref<40x128xf32, #tpu.memory_space<vmem>>) target(%dma_start3A_473 : memref<10240x128xf32, #tpu.memory_space<vmem_shared>>) offsets(%dma_start3A_470 : memref<40xi32, #tpu.memory_space<vmem>>) semaphore(%arg29 : memref<!tpu.dma_semaphore, #tpu.memory_space<semaphore_mem>>) {add = true}
    %add3A_474 = arith.constant 280 : i32
    %add3A_475 = arith.addi %mul3A_2, %add3A_474 : i32
    %dma_start3A_476 = arith.constant 1 : i32
    %dma_start3A_477 = arith.constant 0 : i32
    %dma_start3A_478 = tpu.memref_slice %arg7[%dma_start3A_476, %dma_start3A_477] : memref<6x40xi32, #tpu.memory_space<vmem>> -> memref<1x40xi32, #tpu.memory_space<vmem>>
    %dma_start3A_479 = tpu.memref_squeeze %dma_start3A_478 : memref<1x40xi32, #tpu.memory_space<vmem>> -> memref<40xi32, #tpu.memory_space<vmem>>
    %dma_start3A_480 = tpu.memref_slice %arg3[%add3A_475] : memref<320000xi32, #tpu.memory_space<hbm>> -> memref<40xi32, #tpu.memory_space<hbm>>
    %dma_start3A_481 = arith.constant 0 : i32
    %dma_start3A_482 = tpu.memref_slice %arg7[%dma_start3A_476, %dma_start3A_481] : memref<6x40xi32, #tpu.memory_space<vmem>> -> memref<1x40xi32, #tpu.memory_space<vmem>>
    %dma_start3A_483 = tpu.memref_squeeze %dma_start3A_482 : memref<1x40xi32, #tpu.memory_space<vmem>> -> memref<40xi32, #tpu.memory_space<vmem>>
    %dma_start3A_484 = tpu.memref_slice %arg3[%add3A_475] : memref<320000xi32, #tpu.memory_space<hbm>> -> memref<40xi32, #tpu.memory_space<hbm>>
    tpu.enqueue_dma source(%dma_start3A_484 : memref<40xi32, #tpu.memory_space<hbm>>) target(%dma_start3A_483 : memref<40xi32, #tpu.memory_space<vmem>>) target_semaphore(%arg17 : memref<!tpu.dma_semaphore, #tpu.memory_space<semaphore_mem>>)
    %add3A_485 = arith.constant 200 : i32
    %add3A_486 = arith.addi %mul3A_2, %add3A_485 : i32
    %dma_wait3A_487 = arith.constant 5 : i32
    %dma_wait3A_488 = arith.constant 0 : i32
    %dma_wait3A_489 = tpu.memref_slice %arg7[%dma_wait3A_487, %dma_wait3A_488] : memref<6x40xi32, #tpu.memory_space<vmem>> -> memref<1x40xi32, #tpu.memory_space<vmem>>
    %dma_wait3A_490 = tpu.memref_squeeze %dma_wait3A_489 : memref<1x40xi32, #tpu.memory_space<vmem>> -> memref<40xi32, #tpu.memory_space<vmem>>
    %dma_wait3A_491 = tpu.memref_slice %arg3[%add3A_486] : memref<320000xi32, #tpu.memory_space<hbm>> -> memref<40xi32, #tpu.memory_space<hbm>>
    %dma_wait3A_492 = arith.constant 0 : i32
    %dma_wait3A_493 = tpu.memref_slice %arg7[%dma_wait3A_487, %dma_wait3A_492] : memref<6x40xi32, #tpu.memory_space<vmem>> -> memref<1x40xi32, #tpu.memory_space<vmem>>
    %dma_wait3A_494 = tpu.memref_squeeze %dma_wait3A_493 : memref<1x40xi32, #tpu.memory_space<vmem>> -> memref<40xi32, #tpu.memory_space<vmem>>
    %dma_wait3A_495 = tpu.memref_slice %arg3[%add3A_486] : memref<320000xi32, #tpu.memory_space<hbm>> -> memref<40xi32, #tpu.memory_space<hbm>>
    tpu.wait_dma2 semaphore(%arg21 : memref<!tpu.dma_semaphore, #tpu.memory_space<semaphore_mem>>) src(%dma_wait3A_495 : memref<40xi32, #tpu.memory_space<hbm>>) dst(%dma_wait3A_494 : memref<40xi32, #tpu.memory_space<vmem>>)
    %dma_start3A_496 = arith.constant 5 : i32
    %dma_start3A_497 = arith.constant 0 : i32
    %dma_start3A_498 = tpu.memref_slice %arg7[%dma_start3A_496, %dma_start3A_497] : memref<6x40xi32, #tpu.memory_space<vmem>> -> memref<1x40xi32, #tpu.memory_space<vmem>>
    %dma_start3A_499 = tpu.memref_squeeze %dma_start3A_498 : memref<1x40xi32, #tpu.memory_space<vmem>> -> memref<40xi32, #tpu.memory_space<vmem>>
    %dma_start3A_500 = arith.constant 0 : i32
    %dma_start3A_501 = arith.constant 0 : i32
    %dma_start3A_502 = tpu.memref_slice %arg2[%dma_start3A_500, %dma_start3A_501] : memref<10000x128xf32, #tpu.memory_space<hbm>> -> memref<10000x128xf32, #tpu.memory_space<hbm>>
    tpu.enqueue_indirect_dma source(%dma_start3A_502 : memref<10000x128xf32, #tpu.memory_space<hbm>>) target(%arg14 : memref<40x128xf32, #tpu.memory_space<vmem>>) offsets(%dma_start3A_499 : memref<40xi32, #tpu.memory_space<vmem>>) semaphore(%arg27 : memref<!tpu.dma_semaphore, #tpu.memory_space<semaphore_mem>>)
    %scan3A_503 = arith.constant 0 : i32
    %scan3A_504 = arith.constant 0 : i32
    %scan3A_505 = arith.constant 41 : i32
    %scan3A_506 = arith.addi %scan3A_504, %scan3A_505 : i32
    %scan3A_507 = arith.constant 1 : i32
    scf.for %scan3A_621 = %scan3A_504 to %scan3A_506 step %scan3A_507  : i32 {
      %mul3A_622 = arith.constant 6 : i32
      %mul3A_623 = arith.muli %mul3A_622, %scan3A_621 : i32
      %add3A_624 = arith.constant 0 : i32
      %add3A_625 = arith.addi %mul3A_623, %add3A_624 : i32
      %add3A_626 = arith.constant 2 : i32
      %add3A_627 = arith.addi %add3A_625, %add3A_626 : i32
      %dma_wait3A_628 = arith.constant 2 : i32
      %dma_wait3A_629 = arith.constant 0 : i32
      %dma_wait3A_630 = tpu.memref_slice %arg7[%dma_wait3A_628, %dma_wait3A_629] : memref<6x40xi32, #tpu.memory_space<vmem>> -> memref<1x40xi32, #tpu.memory_space<vmem>>
      %dma_wait3A_631 = tpu.memref_squeeze %dma_wait3A_630 : memref<1x40xi32, #tpu.memory_space<vmem>> -> memref<40xi32, #tpu.memory_space<vmem>>
      %dma_wait3A_632 = arith.constant 0 : i32
      %dma_wait3A_633 = arith.constant 0 : i32
      %dma_wait3A_634 = tpu.memref_slice %arg2[%dma_wait3A_632, %dma_wait3A_633] : memref<10000x128xf32, #tpu.memory_space<hbm>> -> memref<10000x128xf32, #tpu.memory_space<hbm>>
      tpu.wait_indirect_dma semaphore(%arg24 : memref<!tpu.dma_semaphore, #tpu.memory_space<semaphore_mem>>) src(%dma_wait3A_634 : memref<10000x128xf32, #tpu.memory_space<hbm>>) dst(%arg11 : memref<40x128xf32, #tpu.memory_space<vmem>>)
      %dma_start3A_635 = arith.constant 0 : i32
      %dma_start3A_636 = tpu.memref_slice %arg8[%add3A_627, %dma_start3A_635] : memref<250x40xi32, #tpu.memory_space<vmem>> -> memref<1x40xi32, #tpu.memory_space<vmem>>
      %dma_start3A_637 = tpu.memref_squeeze %dma_start3A_636 : memref<1x40xi32, #tpu.memory_space<vmem>> -> memref<40xi32, #tpu.memory_space<vmem>>
      %dma_start3A_638 = arith.constant 0 : i32
      %dma_start3A_639 = arith.constant 0 : i32
      %dma_start3A_640 = tpu.memref_slice %arg15[%dma_start3A_638, %dma_start3A_639] : memref<10240x128xf32, #tpu.memory_space<vmem_shared>> -> memref<10240x128xf32, #tpu.memory_space<vmem_shared>>
      tpu.enqueue_indirect_dma source(%arg11 : memref<40x128xf32, #tpu.memory_space<vmem>>) target(%dma_start3A_640 : memref<10240x128xf32, #tpu.memory_space<vmem_shared>>) offsets(%dma_start3A_637 : memref<40xi32, #tpu.memory_space<vmem>>) semaphore(%arg30 : memref<!tpu.dma_semaphore, #tpu.memory_space<semaphore_mem>>) {add = true}
      %add3A_641 = arith.constant 6 : i32
      %add3A_642 = arith.addi %add3A_627, %add3A_641 : i32
      %lt3A = arith.constant 250 : i32
      %lt3A_643 = arith.cmpi slt, %add3A_642, %lt3A : i32
      %convert_element_type3A = arith.extui %lt3A_643 : i1 to i32
      %cond3A = arith.constant 0 : i32
      %cond3A_644 = arith.cmpi ne, %convert_element_type3A, %cond3A : i32
      scf.if %cond3A_644 {
        %add3A_817 = arith.constant 6 : i32
        %add3A_818 = arith.addi %add3A_627, %add3A_817 : i32
        %mul3A_819 = arith.constant 40 : i32
        %mul3A_820 = arith.muli %add3A_818, %mul3A_819 : i32
        %add3A_821 = arith.addi %mul3A_2, %mul3A_820 : i32
        %dma_start3A_822 = arith.constant 2 : i32
        %dma_start3A_823 = arith.constant 0 : i32
        %dma_start3A_824 = tpu.memref_slice %arg7[%dma_start3A_822, %dma_start3A_823] : memref<6x40xi32, #tpu.memory_space<vmem>> -> memref<1x40xi32, #tpu.memory_space<vmem>>
        %dma_start3A_825 = tpu.memref_squeeze %dma_start3A_824 : memref<1x40xi32, #tpu.memory_space<vmem>> -> memref<40xi32, #tpu.memory_space<vmem>>
        %dma_start3A_826 = tpu.memref_slice %arg3[%add3A_821] : memref<320000xi32, #tpu.memory_space<hbm>> -> memref<40xi32, #tpu.memory_space<hbm>>
        %dma_start3A_827 = arith.constant 0 : i32
        %dma_start3A_828 = tpu.memref_slice %arg7[%dma_start3A_822, %dma_start3A_827] : memref<6x40xi32, #tpu.memory_space<vmem>> -> memref<1x40xi32, #tpu.memory_space<vmem>>
        %dma_start3A_829 = tpu.memref_squeeze %dma_start3A_828 : memref<1x40xi32, #tpu.memory_space<vmem>> -> memref<40xi32, #tpu.memory_space<vmem>>
        %dma_start3A_830 = tpu.memref_slice %arg3[%add3A_821] : memref<320000xi32, #tpu.memory_space<hbm>> -> memref<40xi32, #tpu.memory_space<hbm>>
        tpu.enqueue_dma source(%dma_start3A_830 : memref<40xi32, #tpu.memory_space<hbm>>) target(%dma_start3A_829 : memref<40xi32, #tpu.memory_space<vmem>>) target_semaphore(%arg18 : memref<!tpu.dma_semaphore, #tpu.memory_space<semaphore_mem>>)
      } else {
      }
      %add3A_645 = arith.constant 4 : i32
      %add3A_646 = arith.addi %add3A_627, %add3A_645 : i32
      %lt3A_647 = arith.constant 250 : i32
      %lt3A_648 = arith.cmpi slt, %add3A_646, %lt3A_647 : i32
      %convert_element_type3A_649 = arith.extui %lt3A_648 : i1 to i32
      %cond3A_650 = arith.constant 0 : i32
      %cond3A_651 = arith.cmpi ne, %convert_element_type3A_649, %cond3A_650 : i32
      scf.if %cond3A_651 {
        %dma_wait3A_817 = arith.constant 0 : i32
        %dma_wait3A_818 = arith.constant 0 : i32
        %dma_wait3A_819 = tpu.memref_slice %arg8[%dma_wait3A_817, %dma_wait3A_818] : memref<250x40xi32, #tpu.memory_space<vmem>> -> memref<1x40xi32, #tpu.memory_space<vmem>>
        %dma_wait3A_820 = tpu.memref_squeeze %dma_wait3A_819 : memref<1x40xi32, #tpu.memory_space<vmem>> -> memref<40xi32, #tpu.memory_space<vmem>>
        %dma_wait3A_821 = arith.constant 0 : i32
        %dma_wait3A_822 = arith.constant 0 : i32
        %dma_wait3A_823 = tpu.memref_slice %arg15[%dma_wait3A_821, %dma_wait3A_822] : memref<10240x128xf32, #tpu.memory_space<vmem_shared>> -> memref<10240x128xf32, #tpu.memory_space<vmem_shared>>
        tpu.wait_indirect_dma semaphore(%arg28 : memref<!tpu.dma_semaphore, #tpu.memory_space<semaphore_mem>>) src(%arg9 : memref<40x128xf32, #tpu.memory_space<vmem>>) dst(%dma_wait3A_823 : memref<10240x128xf32, #tpu.memory_space<vmem_shared>>)
        %add3A_824 = arith.constant 4 : i32
        %add3A_825 = arith.addi %add3A_627, %add3A_824 : i32
        %mul3A_826 = arith.constant 40 : i32
        %mul3A_827 = arith.muli %add3A_825, %mul3A_826 : i32
        %add3A_828 = arith.addi %mul3A_2, %mul3A_827 : i32
        %dma_wait3A_829 = arith.constant 0 : i32
        %dma_wait3A_830 = arith.constant 0 : i32
        %dma_wait3A_831 = tpu.memref_slice %arg7[%dma_wait3A_829, %dma_wait3A_830] : memref<6x40xi32, #tpu.memory_space<vmem>> -> memref<1x40xi32, #tpu.memory_space<vmem>>
        %dma_wait3A_832 = tpu.memref_squeeze %dma_wait3A_831 : memref<1x40xi32, #tpu.memory_space<vmem>> -> memref<40xi32, #tpu.memory_space<vmem>>
        %dma_wait3A_833 = tpu.memref_slice %arg3[%add3A_828] : memref<320000xi32, #tpu.memory_space<hbm>> -> memref<40xi32, #tpu.memory_space<hbm>>
        %dma_wait3A_834 = arith.constant 0 : i32
        %dma_wait3A_835 = tpu.memref_slice %arg7[%dma_wait3A_829, %dma_wait3A_834] : memref<6x40xi32, #tpu.memory_space<vmem>> -> memref<1x40xi32, #tpu.memory_space<vmem>>
        %dma_wait3A_836 = tpu.memref_squeeze %dma_wait3A_835 : memref<1x40xi32, #tpu.memory_space<vmem>> -> memref<40xi32, #tpu.memory_space<vmem>>
        %dma_wait3A_837 = tpu.memref_slice %arg3[%add3A_828] : memref<320000xi32, #tpu.memory_space<hbm>> -> memref<40xi32, #tpu.memory_space<hbm>>
        tpu.wait_dma2 semaphore(%arg16 : memref<!tpu.dma_semaphore, #tpu.memory_space<semaphore_mem>>) src(%dma_wait3A_837 : memref<40xi32, #tpu.memory_space<hbm>>) dst(%dma_wait3A_836 : memref<40xi32, #tpu.memory_space<vmem>>)
        %add3A_838 = arith.constant 4 : i32
        %add3A_839 = arith.addi %add3A_627, %add3A_838 : i32
        %dma_start3A_840 = arith.constant 0 : i32
        %dma_start3A_841 = arith.constant 0 : i32
        %dma_start3A_842 = tpu.memref_slice %arg7[%dma_start3A_840, %dma_start3A_841] : memref<6x40xi32, #tpu.memory_space<vmem>> -> memref<1x40xi32, #tpu.memory_space<vmem>>
        %dma_start3A_843 = tpu.memref_squeeze %dma_start3A_842 : memref<1x40xi32, #tpu.memory_space<vmem>> -> memref<40xi32, #tpu.memory_space<vmem>>
        %dma_start3A_844 = arith.constant 0 : i32
        %dma_start3A_845 = arith.constant 0 : i32
        %dma_start3A_846 = tpu.memref_slice %arg2[%dma_start3A_844, %dma_start3A_845] : memref<10000x128xf32, #tpu.memory_space<hbm>> -> memref<10000x128xf32, #tpu.memory_space<hbm>>
        tpu.enqueue_indirect_dma source(%dma_start3A_846 : memref<10000x128xf32, #tpu.memory_space<hbm>>) target(%arg9 : memref<40x128xf32, #tpu.memory_space<vmem>>) offsets(%dma_start3A_843 : memref<40xi32, #tpu.memory_space<vmem>>) semaphore(%arg22 : memref<!tpu.dma_semaphore, #tpu.memory_space<semaphore_mem>>)
      } else {
      }
      %mul3A_652 = arith.constant 6 : i32
      %mul3A_653 = arith.muli %mul3A_652, %scan3A_621 : i32
      %add3A_654 = arith.constant 1 : i32
      %add3A_655 = arith.addi %mul3A_653, %add3A_654 : i32
      %add3A_656 = arith.constant 2 : i32
      %add3A_657 = arith.addi %add3A_655, %add3A_656 : i32
      %dma_wait3A_658 = arith.constant 3 : i32
      %dma_wait3A_659 = arith.constant 0 : i32
      %dma_wait3A_660 = tpu.memref_slice %arg7[%dma_wait3A_658, %dma_wait3A_659] : memref<6x40xi32, #tpu.memory_space<vmem>> -> memref<1x40xi32, #tpu.memory_space<vmem>>
      %dma_wait3A_661 = tpu.memref_squeeze %dma_wait3A_660 : memref<1x40xi32, #tpu.memory_space<vmem>> -> memref<40xi32, #tpu.memory_space<vmem>>
      %dma_wait3A_662 = arith.constant 0 : i32
      %dma_wait3A_663 = arith.constant 0 : i32
      %dma_wait3A_664 = tpu.memref_slice %arg2[%dma_wait3A_662, %dma_wait3A_663] : memref<10000x128xf32, #tpu.memory_space<hbm>> -> memref<10000x128xf32, #tpu.memory_space<hbm>>
      tpu.wait_indirect_dma semaphore(%arg25 : memref<!tpu.dma_semaphore, #tpu.memory_space<semaphore_mem>>) src(%dma_wait3A_664 : memref<10000x128xf32, #tpu.memory_space<hbm>>) dst(%arg12 : memref<40x128xf32, #tpu.memory_space<vmem>>)
      %dma_start3A_665 = arith.constant 0 : i32
      %dma_start3A_666 = tpu.memref_slice %arg8[%add3A_657, %dma_start3A_665] : memref<250x40xi32, #tpu.memory_space<vmem>> -> memref<1x40xi32, #tpu.memory_space<vmem>>
      %dma_start3A_667 = tpu.memref_squeeze %dma_start3A_666 : memref<1x40xi32, #tpu.memory_space<vmem>> -> memref<40xi32, #tpu.memory_space<vmem>>
      %dma_start3A_668 = arith.constant 0 : i32
      %dma_start3A_669 = arith.constant 0 : i32
      %dma_start3A_670 = tpu.memref_slice %arg15[%dma_start3A_668, %dma_start3A_669] : memref<10240x128xf32, #tpu.memory_space<vmem_shared>> -> memref<10240x128xf32, #tpu.memory_space<vmem_shared>>
      tpu.enqueue_indirect_dma source(%arg12 : memref<40x128xf32, #tpu.memory_space<vmem>>) target(%dma_start3A_670 : memref<10240x128xf32, #tpu.memory_space<vmem_shared>>) offsets(%dma_start3A_667 : memref<40xi32, #tpu.memory_space<vmem>>) semaphore(%arg31 : memref<!tpu.dma_semaphore, #tpu.memory_space<semaphore_mem>>) {add = true}
      %add3A_671 = arith.constant 6 : i32
      %add3A_672 = arith.addi %add3A_657, %add3A_671 : i32
      %lt3A_673 = arith.constant 250 : i32
      %lt3A_674 = arith.cmpi slt, %add3A_672, %lt3A_673 : i32
      %convert_element_type3A_675 = arith.extui %lt3A_674 : i1 to i32
      %cond3A_676 = arith.constant 0 : i32
      %cond3A_677 = arith.cmpi ne, %convert_element_type3A_675, %cond3A_676 : i32
      scf.if %cond3A_677 {
        %add3A_817 = arith.constant 6 : i32
        %add3A_818 = arith.addi %add3A_657, %add3A_817 : i32
        %mul3A_819 = arith.constant 40 : i32
        %mul3A_820 = arith.muli %add3A_818, %mul3A_819 : i32
        %add3A_821 = arith.addi %mul3A_2, %mul3A_820 : i32
        %dma_start3A_822 = arith.constant 3 : i32
        %dma_start3A_823 = arith.constant 0 : i32
        %dma_start3A_824 = tpu.memref_slice %arg7[%dma_start3A_822, %dma_start3A_823] : memref<6x40xi32, #tpu.memory_space<vmem>> -> memref<1x40xi32, #tpu.memory_space<vmem>>
        %dma_start3A_825 = tpu.memref_squeeze %dma_start3A_824 : memref<1x40xi32, #tpu.memory_space<vmem>> -> memref<40xi32, #tpu.memory_space<vmem>>
        %dma_start3A_826 = tpu.memref_slice %arg3[%add3A_821] : memref<320000xi32, #tpu.memory_space<hbm>> -> memref<40xi32, #tpu.memory_space<hbm>>
        %dma_start3A_827 = arith.constant 0 : i32
        %dma_start3A_828 = tpu.memref_slice %arg7[%dma_start3A_822, %dma_start3A_827] : memref<6x40xi32, #tpu.memory_space<vmem>> -> memref<1x40xi32, #tpu.memory_space<vmem>>
        %dma_start3A_829 = tpu.memref_squeeze %dma_start3A_828 : memref<1x40xi32, #tpu.memory_space<vmem>> -> memref<40xi32, #tpu.memory_space<vmem>>
        %dma_start3A_830 = tpu.memref_slice %arg3[%add3A_821] : memref<320000xi32, #tpu.memory_space<hbm>> -> memref<40xi32, #tpu.memory_space<hbm>>
        tpu.enqueue_dma source(%dma_start3A_830 : memref<40xi32, #tpu.memory_space<hbm>>) target(%dma_start3A_829 : memref<40xi32, #tpu.memory_space<vmem>>) target_semaphore(%arg19 : memref<!tpu.dma_semaphore, #tpu.memory_space<semaphore_mem>>)
      } else {
      }
      %add3A_678 = arith.constant 4 : i32
      %add3A_679 = arith.addi %add3A_657, %add3A_678 : i32
      %lt3A_680 = arith.constant 250 : i32
      %lt3A_681 = arith.cmpi slt, %add3A_679, %lt3A_680 : i32
      %convert_element_type3A_682 = arith.extui %lt3A_681 : i1 to i32
      %cond3A_683 = arith.constant 0 : i32
      %cond3A_684 = arith.cmpi ne, %convert_element_type3A_682, %cond3A_683 : i32
      scf.if %cond3A_684 {
        %dma_wait3A_817 = arith.constant 0 : i32
        %dma_wait3A_818 = arith.constant 0 : i32
        %dma_wait3A_819 = tpu.memref_slice %arg8[%dma_wait3A_817, %dma_wait3A_818] : memref<250x40xi32, #tpu.memory_space<vmem>> -> memref<1x40xi32, #tpu.memory_space<vmem>>
        %dma_wait3A_820 = tpu.memref_squeeze %dma_wait3A_819 : memref<1x40xi32, #tpu.memory_space<vmem>> -> memref<40xi32, #tpu.memory_space<vmem>>
        %dma_wait3A_821 = arith.constant 0 : i32
        %dma_wait3A_822 = arith.constant 0 : i32
        %dma_wait3A_823 = tpu.memref_slice %arg15[%dma_wait3A_821, %dma_wait3A_822] : memref<10240x128xf32, #tpu.memory_space<vmem_shared>> -> memref<10240x128xf32, #tpu.memory_space<vmem_shared>>
        tpu.wait_indirect_dma semaphore(%arg29 : memref<!tpu.dma_semaphore, #tpu.memory_space<semaphore_mem>>) src(%arg10 : memref<40x128xf32, #tpu.memory_space<vmem>>) dst(%dma_wait3A_823 : memref<10240x128xf32, #tpu.memory_space<vmem_shared>>)
        %add3A_824 = arith.constant 4 : i32
        %add3A_825 = arith.addi %add3A_657, %add3A_824 : i32
        %mul3A_826 = arith.constant 40 : i32
        %mul3A_827 = arith.muli %add3A_825, %mul3A_826 : i32
        %add3A_828 = arith.addi %mul3A_2, %mul3A_827 : i32
        %dma_wait3A_829 = arith.constant 1 : i32
        %dma_wait3A_830 = arith.constant 0 : i32
        %dma_wait3A_831 = tpu.memref_slice %arg7[%dma_wait3A_829, %dma_wait3A_830] : memref<6x40xi32, #tpu.memory_space<vmem>> -> memref<1x40xi32, #tpu.memory_space<vmem>>
        %dma_wait3A_832 = tpu.memref_squeeze %dma_wait3A_831 : memref<1x40xi32, #tpu.memory_space<vmem>> -> memref<40xi32, #tpu.memory_space<vmem>>
        %dma_wait3A_833 = tpu.memref_slice %arg3[%add3A_828] : memref<320000xi32, #tpu.memory_space<hbm>> -> memref<40xi32, #tpu.memory_space<hbm>>
        %dma_wait3A_834 = arith.constant 0 : i32
        %dma_wait3A_835 = tpu.memref_slice %arg7[%dma_wait3A_829, %dma_wait3A_834] : memref<6x40xi32, #tpu.memory_space<vmem>> -> memref<1x40xi32, #tpu.memory_space<vmem>>
        %dma_wait3A_836 = tpu.memref_squeeze %dma_wait3A_835 : memref<1x40xi32, #tpu.memory_space<vmem>> -> memref<40xi32, #tpu.memory_space<vmem>>
        %dma_wait3A_837 = tpu.memref_slice %arg3[%add3A_828] : memref<320000xi32, #tpu.memory_space<hbm>> -> memref<40xi32, #tpu.memory_space<hbm>>
        tpu.wait_dma2 semaphore(%arg17 : memref<!tpu.dma_semaphore, #tpu.memory_space<semaphore_mem>>) src(%dma_wait3A_837 : memref<40xi32, #tpu.memory_space<hbm>>) dst(%dma_wait3A_836 : memref<40xi32, #tpu.memory_space<vmem>>)
        %add3A_838 = arith.constant 4 : i32
        %add3A_839 = arith.addi %add3A_657, %add3A_838 : i32
        %dma_start3A_840 = arith.constant 1 : i32
        %dma_start3A_841 = arith.constant 0 : i32
        %dma_start3A_842 = tpu.memref_slice %arg7[%dma_start3A_840, %dma_start3A_841] : memref<6x40xi32, #tpu.memory_space<vmem>> -> memref<1x40xi32, #tpu.memory_space<vmem>>
        %dma_start3A_843 = tpu.memref_squeeze %dma_start3A_842 : memref<1x40xi32, #tpu.memory_space<vmem>> -> memref<40xi32, #tpu.memory_space<vmem>>
        %dma_start3A_844 = arith.constant 0 : i32
        %dma_start3A_845 = arith.constant 0 : i32
        %dma_start3A_846 = tpu.memref_slice %arg2[%dma_start3A_844, %dma_start3A_845] : memref<10000x128xf32, #tpu.memory_space<hbm>> -> memref<10000x128xf32, #tpu.memory_space<hbm>>
        tpu.enqueue_indirect_dma source(%dma_start3A_846 : memref<10000x128xf32, #tpu.memory_space<hbm>>) target(%arg10 : memref<40x128xf32, #tpu.memory_space<vmem>>) offsets(%dma_start3A_843 : memref<40xi32, #tpu.memory_space<vmem>>) semaphore(%arg23 : memref<!tpu.dma_semaphore, #tpu.memory_space<semaphore_mem>>)
      } else {
      }
      %mul3A_685 = arith.constant 6 : i32
      %mul3A_686 = arith.muli %mul3A_685, %scan3A_621 : i32
      %add3A_687 = arith.constant 2 : i32
      %add3A_688 = arith.addi %mul3A_686, %add3A_687 : i32
      %add3A_689 = arith.constant 2 : i32
      %add3A_690 = arith.addi %add3A_688, %add3A_689 : i32
      %dma_wait3A_691 = arith.constant 4 : i32
      %dma_wait3A_692 = arith.constant 0 : i32
      %dma_wait3A_693 = tpu.memref_slice %arg7[%dma_wait3A_691, %dma_wait3A_692] : memref<6x40xi32, #tpu.memory_space<vmem>> -> memref<1x40xi32, #tpu.memory_space<vmem>>
      %dma_wait3A_694 = tpu.memref_squeeze %dma_wait3A_693 : memref<1x40xi32, #tpu.memory_space<vmem>> -> memref<40xi32, #tpu.memory_space<vmem>>
      %dma_wait3A_695 = arith.constant 0 : i32
      %dma_wait3A_696 = arith.constant 0 : i32
      %dma_wait3A_697 = tpu.memref_slice %arg2[%dma_wait3A_695, %dma_wait3A_696] : memref<10000x128xf32, #tpu.memory_space<hbm>> -> memref<10000x128xf32, #tpu.memory_space<hbm>>
      tpu.wait_indirect_dma semaphore(%arg26 : memref<!tpu.dma_semaphore, #tpu.memory_space<semaphore_mem>>) src(%dma_wait3A_697 : memref<10000x128xf32, #tpu.memory_space<hbm>>) dst(%arg13 : memref<40x128xf32, #tpu.memory_space<vmem>>)
      %dma_start3A_698 = arith.constant 0 : i32
      %dma_start3A_699 = tpu.memref_slice %arg8[%add3A_690, %dma_start3A_698] : memref<250x40xi32, #tpu.memory_space<vmem>> -> memref<1x40xi32, #tpu.memory_space<vmem>>
      %dma_start3A_700 = tpu.memref_squeeze %dma_start3A_699 : memref<1x40xi32, #tpu.memory_space<vmem>> -> memref<40xi32, #tpu.memory_space<vmem>>
      %dma_start3A_701 = arith.constant 0 : i32
      %dma_start3A_702 = arith.constant 0 : i32
      %dma_start3A_703 = tpu.memref_slice %arg15[%dma_start3A_701, %dma_start3A_702] : memref<10240x128xf32, #tpu.memory_space<vmem_shared>> -> memref<10240x128xf32, #tpu.memory_space<vmem_shared>>
      tpu.enqueue_indirect_dma source(%arg13 : memref<40x128xf32, #tpu.memory_space<vmem>>) target(%dma_start3A_703 : memref<10240x128xf32, #tpu.memory_space<vmem_shared>>) offsets(%dma_start3A_700 : memref<40xi32, #tpu.memory_space<vmem>>) semaphore(%arg32 : memref<!tpu.dma_semaphore, #tpu.memory_space<semaphore_mem>>) {add = true}
      %add3A_704 = arith.constant 6 : i32
      %add3A_705 = arith.addi %add3A_690, %add3A_704 : i32
      %lt3A_706 = arith.constant 250 : i32
      %lt3A_707 = arith.cmpi slt, %add3A_705, %lt3A_706 : i32
      %convert_element_type3A_708 = arith.extui %lt3A_707 : i1 to i32
      %cond3A_709 = arith.constant 0 : i32
      %cond3A_710 = arith.cmpi ne, %convert_element_type3A_708, %cond3A_709 : i32
      scf.if %cond3A_710 {
        %add3A_817 = arith.constant 6 : i32
        %add3A_818 = arith.addi %add3A_690, %add3A_817 : i32
        %mul3A_819 = arith.constant 40 : i32
        %mul3A_820 = arith.muli %add3A_818, %mul3A_819 : i32
        %add3A_821 = arith.addi %mul3A_2, %mul3A_820 : i32
        %dma_start3A_822 = arith.constant 4 : i32
        %dma_start3A_823 = arith.constant 0 : i32
        %dma_start3A_824 = tpu.memref_slice %arg7[%dma_start3A_822, %dma_start3A_823] : memref<6x40xi32, #tpu.memory_space<vmem>> -> memref<1x40xi32, #tpu.memory_space<vmem>>
        %dma_start3A_825 = tpu.memref_squeeze %dma_start3A_824 : memref<1x40xi32, #tpu.memory_space<vmem>> -> memref<40xi32, #tpu.memory_space<vmem>>
        %dma_start3A_826 = tpu.memref_slice %arg3[%add3A_821] : memref<320000xi32, #tpu.memory_space<hbm>> -> memref<40xi32, #tpu.memory_space<hbm>>
        %dma_start3A_827 = arith.constant 0 : i32
        %dma_start3A_828 = tpu.memref_slice %arg7[%dma_start3A_822, %dma_start3A_827] : memref<6x40xi32, #tpu.memory_space<vmem>> -> memref<1x40xi32, #tpu.memory_space<vmem>>
        %dma_start3A_829 = tpu.memref_squeeze %dma_start3A_828 : memref<1x40xi32, #tpu.memory_space<vmem>> -> memref<40xi32, #tpu.memory_space<vmem>>
        %dma_start3A_830 = tpu.memref_slice %arg3[%add3A_821] : memref<320000xi32, #tpu.memory_space<hbm>> -> memref<40xi32, #tpu.memory_space<hbm>>
        tpu.enqueue_dma source(%dma_start3A_830 : memref<40xi32, #tpu.memory_space<hbm>>) target(%dma_start3A_829 : memref<40xi32, #tpu.memory_space<vmem>>) target_semaphore(%arg20 : memref<!tpu.dma_semaphore, #tpu.memory_space<semaphore_mem>>)
      } else {
      }
      %add3A_711 = arith.constant 4 : i32
      %add3A_712 = arith.addi %add3A_690, %add3A_711 : i32
      %lt3A_713 = arith.constant 250 : i32
      %lt3A_714 = arith.cmpi slt, %add3A_712, %lt3A_713 : i32
      %convert_element_type3A_715 = arith.extui %lt3A_714 : i1 to i32
      %cond3A_716 = arith.constant 0 : i32
      %cond3A_717 = arith.cmpi ne, %convert_element_type3A_715, %cond3A_716 : i32
      scf.if %cond3A_717 {
        %dma_wait3A_817 = arith.constant 0 : i32
        %dma_wait3A_818 = arith.constant 0 : i32
        %dma_wait3A_819 = tpu.memref_slice %arg8[%dma_wait3A_817, %dma_wait3A_818] : memref<250x40xi32, #tpu.memory_space<vmem>> -> memref<1x40xi32, #tpu.memory_space<vmem>>
        %dma_wait3A_820 = tpu.memref_squeeze %dma_wait3A_819 : memref<1x40xi32, #tpu.memory_space<vmem>> -> memref<40xi32, #tpu.memory_space<vmem>>
        %dma_wait3A_821 = arith.constant 0 : i32
        %dma_wait3A_822 = arith.constant 0 : i32
        %dma_wait3A_823 = tpu.memref_slice %arg15[%dma_wait3A_821, %dma_wait3A_822] : memref<10240x128xf32, #tpu.memory_space<vmem_shared>> -> memref<10240x128xf32, #tpu.memory_space<vmem_shared>>
        tpu.wait_indirect_dma semaphore(%arg30 : memref<!tpu.dma_semaphore, #tpu.memory_space<semaphore_mem>>) src(%arg11 : memref<40x128xf32, #tpu.memory_space<vmem>>) dst(%dma_wait3A_823 : memref<10240x128xf32, #tpu.memory_space<vmem_shared>>)
        %add3A_824 = arith.constant 4 : i32
        %add3A_825 = arith.addi %add3A_690, %add3A_824 : i32
        %mul3A_826 = arith.constant 40 : i32
        %mul3A_827 = arith.muli %add3A_825, %mul3A_826 : i32
        %add3A_828 = arith.addi %mul3A_2, %mul3A_827 : i32
        %dma_wait3A_829 = arith.constant 2 : i32
        %dma_wait3A_830 = arith.constant 0 : i32
        %dma_wait3A_831 = tpu.memref_slice %arg7[%dma_wait3A_829, %dma_wait3A_830] : memref<6x40xi32, #tpu.memory_space<vmem>> -> memref<1x40xi32, #tpu.memory_space<vmem>>
        %dma_wait3A_832 = tpu.memref_squeeze %dma_wait3A_831 : memref<1x40xi32, #tpu.memory_space<vmem>> -> memref<40xi32, #tpu.memory_space<vmem>>
        %dma_wait3A_833 = tpu.memref_slice %arg3[%add3A_828] : memref<320000xi32, #tpu.memory_space<hbm>> -> memref<40xi32, #tpu.memory_space<hbm>>
        %dma_wait3A_834 = arith.constant 0 : i32
        %dma_wait3A_835 = tpu.memref_slice %arg7[%dma_wait3A_829, %dma_wait3A_834] : memref<6x40xi32, #tpu.memory_space<vmem>> -> memref<1x40xi32, #tpu.memory_space<vmem>>
        %dma_wait3A_836 = tpu.memref_squeeze %dma_wait3A_835 : memref<1x40xi32, #tpu.memory_space<vmem>> -> memref<40xi32, #tpu.memory_space<vmem>>
        %dma_wait3A_837 = tpu.memref_slice %arg3[%add3A_828] : memref<320000xi32, #tpu.memory_space<hbm>> -> memref<40xi32, #tpu.memory_space<hbm>>
        tpu.wait_dma2 semaphore(%arg18 : memref<!tpu.dma_semaphore, #tpu.memory_space<semaphore_mem>>) src(%dma_wait3A_837 : memref<40xi32, #tpu.memory_space<hbm>>) dst(%dma_wait3A_836 : memref<40xi32, #tpu.memory_space<vmem>>)
        %add3A_838 = arith.constant 4 : i32
        %add3A_839 = arith.addi %add3A_690, %add3A_838 : i32
        %dma_start3A_840 = arith.constant 2 : i32
        %dma_start3A_841 = arith.constant 0 : i32
        %dma_start3A_842 = tpu.memref_slice %arg7[%dma_start3A_840, %dma_start3A_841] : memref<6x40xi32, #tpu.memory_space<vmem>> -> memref<1x40xi32, #tpu.memory_space<vmem>>
        %dma_start3A_843 = tpu.memref_squeeze %dma_start3A_842 : memref<1x40xi32, #tpu.memory_space<vmem>> -> memref<40xi32, #tpu.memory_space<vmem>>
        %dma_start3A_844 = arith.constant 0 : i32
        %dma_start3A_845 = arith.constant 0 : i32
        %dma_start3A_846 = tpu.memref_slice %arg2[%dma_start3A_844, %dma_start3A_845] : memref<10000x128xf32, #tpu.memory_space<hbm>> -> memref<10000x128xf32, #tpu.memory_space<hbm>>
        tpu.enqueue_indirect_dma source(%dma_start3A_846 : memref<10000x128xf32, #tpu.memory_space<hbm>>) target(%arg11 : memref<40x128xf32, #tpu.memory_space<vmem>>) offsets(%dma_start3A_843 : memref<40xi32, #tpu.memory_space<vmem>>) semaphore(%arg24 : memref<!tpu.dma_semaphore, #tpu.memory_space<semaphore_mem>>)
      } else {
      }
      %mul3A_718 = arith.constant 6 : i32
      %mul3A_719 = arith.muli %mul3A_718, %scan3A_621 : i32
      %add3A_720 = arith.constant 3 : i32
      %add3A_721 = arith.addi %mul3A_719, %add3A_720 : i32
      %add3A_722 = arith.constant 2 : i32
      %add3A_723 = arith.addi %add3A_721, %add3A_722 : i32
      %dma_wait3A_724 = arith.constant 5 : i32
      %dma_wait3A_725 = arith.constant 0 : i32
      %dma_wait3A_726 = tpu.memref_slice %arg7[%dma_wait3A_724, %dma_wait3A_725] : memref<6x40xi32, #tpu.memory_space<vmem>> -> memref<1x40xi32, #tpu.memory_space<vmem>>
      %dma_wait3A_727 = tpu.memref_squeeze %dma_wait3A_726 : memref<1x40xi32, #tpu.memory_space<vmem>> -> memref<40xi32, #tpu.memory_space<vmem>>
      %dma_wait3A_728 = arith.constant 0 : i32
      %dma_wait3A_729 = arith.constant 0 : i32
      %dma_wait3A_730 = tpu.memref_slice %arg2[%dma_wait3A_728, %dma_wait3A_729] : memref<10000x128xf32, #tpu.memory_space<hbm>> -> memref<10000x128xf32, #tpu.memory_space<hbm>>
      tpu.wait_indirect_dma semaphore(%arg27 : memref<!tpu.dma_semaphore, #tpu.memory_space<semaphore_mem>>) src(%dma_wait3A_730 : memref<10000x128xf32, #tpu.memory_space<hbm>>) dst(%arg14 : memref<40x128xf32, #tpu.memory_space<vmem>>)
      %dma_start3A_731 = arith.constant 0 : i32
      %dma_start3A_732 = tpu.memref_slice %arg8[%add3A_723, %dma_start3A_731] : memref<250x40xi32, #tpu.memory_space<vmem>> -> memref<1x40xi32, #tpu.memory_space<vmem>>
      %dma_start3A_733 = tpu.memref_squeeze %dma_start3A_732 : memref<1x40xi32, #tpu.memory_space<vmem>> -> memref<40xi32, #tpu.memory_space<vmem>>
      %dma_start3A_734 = arith.constant 0 : i32
      %dma_start3A_735 = arith.constant 0 : i32
      %dma_start3A_736 = tpu.memref_slice %arg15[%dma_start3A_734, %dma_start3A_735] : memref<10240x128xf32, #tpu.memory_space<vmem_shared>> -> memref<10240x128xf32, #tpu.memory_space<vmem_shared>>
      tpu.enqueue_indirect_dma source(%arg14 : memref<40x128xf32, #tpu.memory_space<vmem>>) target(%dma_start3A_736 : memref<10240x128xf32, #tpu.memory_space<vmem_shared>>) offsets(%dma_start3A_733 : memref<40xi32, #tpu.memory_space<vmem>>) semaphore(%arg33 : memref<!tpu.dma_semaphore, #tpu.memory_space<semaphore_mem>>) {add = true}
      %add3A_737 = arith.constant 6 : i32
      %add3A_738 = arith.addi %add3A_723, %add3A_737 : i32
      %lt3A_739 = arith.constant 250 : i32
      %lt3A_740 = arith.cmpi slt, %add3A_738, %lt3A_739 : i32
      %convert_element_type3A_741 = arith.extui %lt3A_740 : i1 to i32
      %cond3A_742 = arith.constant 0 : i32
      %cond3A_743 = arith.cmpi ne, %convert_element_type3A_741, %cond3A_742 : i32
      scf.if %cond3A_743 {
        %add3A_817 = arith.constant 6 : i32
        %add3A_818 = arith.addi %add3A_723, %add3A_817 : i32
        %mul3A_819 = arith.constant 40 : i32
        %mul3A_820 = arith.muli %add3A_818, %mul3A_819 : i32
        %add3A_821 = arith.addi %mul3A_2, %mul3A_820 : i32
        %dma_start3A_822 = arith.constant 5 : i32
        %dma_start3A_823 = arith.constant 0 : i32
        %dma_start3A_824 = tpu.memref_slice %arg7[%dma_start3A_822, %dma_start3A_823] : memref<6x40xi32, #tpu.memory_space<vmem>> -> memref<1x40xi32, #tpu.memory_space<vmem>>
        %dma_start3A_825 = tpu.memref_squeeze %dma_start3A_824 : memref<1x40xi32, #tpu.memory_space<vmem>> -> memref<40xi32, #tpu.memory_space<vmem>>
        %dma_start3A_826 = tpu.memref_slice %arg3[%add3A_821] : memref<320000xi32, #tpu.memory_space<hbm>> -> memref<40xi32, #tpu.memory_space<hbm>>
        %dma_start3A_827 = arith.constant 0 : i32
        %dma_start3A_828 = tpu.memref_slice %arg7[%dma_start3A_822, %dma_start3A_827] : memref<6x40xi32, #tpu.memory_space<vmem>> -> memref<1x40xi32, #tpu.memory_space<vmem>>
        %dma_start3A_829 = tpu.memref_squeeze %dma_start3A_828 : memref<1x40xi32, #tpu.memory_space<vmem>> -> memref<40xi32, #tpu.memory_space<vmem>>
        %dma_start3A_830 = tpu.memref_slice %arg3[%add3A_821] : memref<320000xi32, #tpu.memory_space<hbm>> -> memref<40xi32, #tpu.memory_space<hbm>>
        tpu.enqueue_dma source(%dma_start3A_830 : memref<40xi32, #tpu.memory_space<hbm>>) target(%dma_start3A_829 : memref<40xi32, #tpu.memory_space<vmem>>) target_semaphore(%arg21 : memref<!tpu.dma_semaphore, #tpu.memory_space<semaphore_mem>>)
      } else {
      }
      %add3A_744 = arith.constant 4 : i32
      %add3A_745 = arith.addi %add3A_723, %add3A_744 : i32
      %lt3A_746 = arith.constant 250 : i32
      %lt3A_747 = arith.cmpi slt, %add3A_745, %lt3A_746 : i32
      %convert_element_type3A_748 = arith.extui %lt3A_747 : i1 to i32
      %cond3A_749 = arith.constant 0 : i32
      %cond3A_750 = arith.cmpi ne, %convert_element_type3A_748, %cond3A_749 : i32
      scf.if %cond3A_750 {
        %dma_wait3A_817 = arith.constant 0 : i32
        %dma_wait3A_818 = arith.constant 0 : i32
        %dma_wait3A_819 = tpu.memref_slice %arg8[%dma_wait3A_817, %dma_wait3A_818] : memref<250x40xi32, #tpu.memory_space<vmem>> -> memref<1x40xi32, #tpu.memory_space<vmem>>
        %dma_wait3A_820 = tpu.memref_squeeze %dma_wait3A_819 : memref<1x40xi32, #tpu.memory_space<vmem>> -> memref<40xi32, #tpu.memory_space<vmem>>
        %dma_wait3A_821 = arith.constant 0 : i32
        %dma_wait3A_822 = arith.constant 0 : i32
        %dma_wait3A_823 = tpu.memref_slice %arg15[%dma_wait3A_821, %dma_wait3A_822] : memref<10240x128xf32, #tpu.memory_space<vmem_shared>> -> memref<10240x128xf32, #tpu.memory_space<vmem_shared>>
        tpu.wait_indirect_dma semaphore(%arg31 : memref<!tpu.dma_semaphore, #tpu.memory_space<semaphore_mem>>) src(%arg12 : memref<40x128xf32, #tpu.memory_space<vmem>>) dst(%dma_wait3A_823 : memref<10240x128xf32, #tpu.memory_space<vmem_shared>>)
        %add3A_824 = arith.constant 4 : i32
        %add3A_825 = arith.addi %add3A_723, %add3A_824 : i32
        %mul3A_826 = arith.constant 40 : i32
        %mul3A_827 = arith.muli %add3A_825, %mul3A_826 : i32
        %add3A_828 = arith.addi %mul3A_2, %mul3A_827 : i32
        %dma_wait3A_829 = arith.constant 3 : i32
        %dma_wait3A_830 = arith.constant 0 : i32
        %dma_wait3A_831 = tpu.memref_slice %arg7[%dma_wait3A_829, %dma_wait3A_830] : memref<6x40xi32, #tpu.memory_space<vmem>> -> memref<1x40xi32, #tpu.memory_space<vmem>>
        %dma_wait3A_832 = tpu.memref_squeeze %dma_wait3A_831 : memref<1x40xi32, #tpu.memory_space<vmem>> -> memref<40xi32, #tpu.memory_space<vmem>>
        %dma_wait3A_833 = tpu.memref_slice %arg3[%add3A_828] : memref<320000xi32, #tpu.memory_space<hbm>> -> memref<40xi32, #tpu.memory_space<hbm>>
        %dma_wait3A_834 = arith.constant 0 : i32
        %dma_wait3A_835 = tpu.memref_slice %arg7[%dma_wait3A_829, %dma_wait3A_834] : memref<6x40xi32, #tpu.memory_space<vmem>> -> memref<1x40xi32, #tpu.memory_space<vmem>>
        %dma_wait3A_836 = tpu.memref_squeeze %dma_wait3A_835 : memref<1x40xi32, #tpu.memory_space<vmem>> -> memref<40xi32, #tpu.memory_space<vmem>>
        %dma_wait3A_837 = tpu.memref_slice %arg3[%add3A_828] : memref<320000xi32, #tpu.memory_space<hbm>> -> memref<40xi32, #tpu.memory_space<hbm>>
        tpu.wait_dma2 semaphore(%arg19 : memref<!tpu.dma_semaphore, #tpu.memory_space<semaphore_mem>>) src(%dma_wait3A_837 : memref<40xi32, #tpu.memory_space<hbm>>) dst(%dma_wait3A_836 : memref<40xi32, #tpu.memory_space<vmem>>)
        %add3A_838 = arith.constant 4 : i32
        %add3A_839 = arith.addi %add3A_723, %add3A_838 : i32
        %dma_start3A_840 = arith.constant 3 : i32
        %dma_start3A_841 = arith.constant 0 : i32
        %dma_start3A_842 = tpu.memref_slice %arg7[%dma_start3A_840, %dma_start3A_841] : memref<6x40xi32, #tpu.memory_space<vmem>> -> memref<1x40xi32, #tpu.memory_space<vmem>>
        %dma_start3A_843 = tpu.memref_squeeze %dma_start3A_842 : memref<1x40xi32, #tpu.memory_space<vmem>> -> memref<40xi32, #tpu.memory_space<vmem>>
        %dma_start3A_844 = arith.constant 0 : i32
        %dma_start3A_845 = arith.constant 0 : i32
        %dma_start3A_846 = tpu.memref_slice %arg2[%dma_start3A_844, %dma_start3A_845] : memref<10000x128xf32, #tpu.memory_space<hbm>> -> memref<10000x128xf32, #tpu.memory_space<hbm>>
        tpu.enqueue_indirect_dma source(%dma_start3A_846 : memref<10000x128xf32, #tpu.memory_space<hbm>>) target(%arg12 : memref<40x128xf32, #tpu.memory_space<vmem>>) offsets(%dma_start3A_843 : memref<40xi32, #tpu.memory_space<vmem>>) semaphore(%arg25 : memref<!tpu.dma_semaphore, #tpu.memory_space<semaphore_mem>>)
      } else {
      }
      %mul3A_751 = arith.constant 6 : i32
      %mul3A_752 = arith.muli %mul3A_751, %scan3A_621 : i32
      %add3A_753 = arith.constant 4 : i32
      %add3A_754 = arith.addi %mul3A_752, %add3A_753 : i32
      %add3A_755 = arith.constant 2 : i32
      %add3A_756 = arith.addi %add3A_754, %add3A_755 : i32
      %dma_wait3A_757 = arith.constant 0 : i32
      %dma_wait3A_758 = arith.constant 0 : i32
      %dma_wait3A_759 = tpu.memref_slice %arg7[%dma_wait3A_757, %dma_wait3A_758] : memref<6x40xi32, #tpu.memory_space<vmem>> -> memref<1x40xi32, #tpu.memory_space<vmem>>
      %dma_wait3A_760 = tpu.memref_squeeze %dma_wait3A_759 : memref<1x40xi32, #tpu.memory_space<vmem>> -> memref<40xi32, #tpu.memory_space<vmem>>
      %dma_wait3A_761 = arith.constant 0 : i32
      %dma_wait3A_762 = arith.constant 0 : i32
      %dma_wait3A_763 = tpu.memref_slice %arg2[%dma_wait3A_761, %dma_wait3A_762] : memref<10000x128xf32, #tpu.memory_space<hbm>> -> memref<10000x128xf32, #tpu.memory_space<hbm>>
      tpu.wait_indirect_dma semaphore(%arg22 : memref<!tpu.dma_semaphore, #tpu.memory_space<semaphore_mem>>) src(%dma_wait3A_763 : memref<10000x128xf32, #tpu.memory_space<hbm>>) dst(%arg9 : memref<40x128xf32, #tpu.memory_space<vmem>>)
      %dma_start3A_764 = arith.constant 0 : i32
      %dma_start3A_765 = tpu.memref_slice %arg8[%add3A_756, %dma_start3A_764] : memref<250x40xi32, #tpu.memory_space<vmem>> -> memref<1x40xi32, #tpu.memory_space<vmem>>
      %dma_start3A_766 = tpu.memref_squeeze %dma_start3A_765 : memref<1x40xi32, #tpu.memory_space<vmem>> -> memref<40xi32, #tpu.memory_space<vmem>>
      %dma_start3A_767 = arith.constant 0 : i32
      %dma_start3A_768 = arith.constant 0 : i32
      %dma_start3A_769 = tpu.memref_slice %arg15[%dma_start3A_767, %dma_start3A_768] : memref<10240x128xf32, #tpu.memory_space<vmem_shared>> -> memref<10240x128xf32, #tpu.memory_space<vmem_shared>>
      tpu.enqueue_indirect_dma source(%arg9 : memref<40x128xf32, #tpu.memory_space<vmem>>) target(%dma_start3A_769 : memref<10240x128xf32, #tpu.memory_space<vmem_shared>>) offsets(%dma_start3A_766 : memref<40xi32, #tpu.memory_space<vmem>>) semaphore(%arg28 : memref<!tpu.dma_semaphore, #tpu.memory_space<semaphore_mem>>) {add = true}
      %add3A_770 = arith.constant 6 : i32
      %add3A_771 = arith.addi %add3A_756, %add3A_770 : i32
      %lt3A_772 = arith.constant 250 : i32
      %lt3A_773 = arith.cmpi slt, %add3A_771, %lt3A_772 : i32
      %convert_element_type3A_774 = arith.extui %lt3A_773 : i1 to i32
      %cond3A_775 = arith.constant 0 : i32
      %cond3A_776 = arith.cmpi ne, %convert_element_type3A_774, %cond3A_775 : i32
      scf.if %cond3A_776 {
        %add3A_817 = arith.constant 6 : i32
        %add3A_818 = arith.addi %add3A_756, %add3A_817 : i32
        %mul3A_819 = arith.constant 40 : i32
        %mul3A_820 = arith.muli %add3A_818, %mul3A_819 : i32
        %add3A_821 = arith.addi %mul3A_2, %mul3A_820 : i32
        %dma_start3A_822 = arith.constant 0 : i32
        %dma_start3A_823 = arith.constant 0 : i32
        %dma_start3A_824 = tpu.memref_slice %arg7[%dma_start3A_822, %dma_start3A_823] : memref<6x40xi32, #tpu.memory_space<vmem>> -> memref<1x40xi32, #tpu.memory_space<vmem>>
        %dma_start3A_825 = tpu.memref_squeeze %dma_start3A_824 : memref<1x40xi32, #tpu.memory_space<vmem>> -> memref<40xi32, #tpu.memory_space<vmem>>
        %dma_start3A_826 = tpu.memref_slice %arg3[%add3A_821] : memref<320000xi32, #tpu.memory_space<hbm>> -> memref<40xi32, #tpu.memory_space<hbm>>
        %dma_start3A_827 = arith.constant 0 : i32
        %dma_start3A_828 = tpu.memref_slice %arg7[%dma_start3A_822, %dma_start3A_827] : memref<6x40xi32, #tpu.memory_space<vmem>> -> memref<1x40xi32, #tpu.memory_space<vmem>>
        %dma_start3A_829 = tpu.memref_squeeze %dma_start3A_828 : memref<1x40xi32, #tpu.memory_space<vmem>> -> memref<40xi32, #tpu.memory_space<vmem>>
        %dma_start3A_830 = tpu.memref_slice %arg3[%add3A_821] : memref<320000xi32, #tpu.memory_space<hbm>> -> memref<40xi32, #tpu.memory_space<hbm>>
        tpu.enqueue_dma source(%dma_start3A_830 : memref<40xi32, #tpu.memory_space<hbm>>) target(%dma_start3A_829 : memref<40xi32, #tpu.memory_space<vmem>>) target_semaphore(%arg16 : memref<!tpu.dma_semaphore, #tpu.memory_space<semaphore_mem>>)
      } else {
      }
      %add3A_777 = arith.constant 4 : i32
      %add3A_778 = arith.addi %add3A_756, %add3A_777 : i32
      %lt3A_779 = arith.constant 250 : i32
      %lt3A_780 = arith.cmpi slt, %add3A_778, %lt3A_779 : i32
      %convert_element_type3A_781 = arith.extui %lt3A_780 : i1 to i32
      %cond3A_782 = arith.constant 0 : i32
      %cond3A_783 = arith.cmpi ne, %convert_element_type3A_781, %cond3A_782 : i32
      scf.if %cond3A_783 {
        %dma_wait3A_817 = arith.constant 0 : i32
        %dma_wait3A_818 = arith.constant 0 : i32
        %dma_wait3A_819 = tpu.memref_slice %arg8[%dma_wait3A_817, %dma_wait3A_818] : memref<250x40xi32, #tpu.memory_space<vmem>> -> memref<1x40xi32, #tpu.memory_space<vmem>>
        %dma_wait3A_820 = tpu.memref_squeeze %dma_wait3A_819 : memref<1x40xi32, #tpu.memory_space<vmem>> -> memref<40xi32, #tpu.memory_space<vmem>>
        %dma_wait3A_821 = arith.constant 0 : i32
        %dma_wait3A_822 = arith.constant 0 : i32
        %dma_wait3A_823 = tpu.memref_slice %arg15[%dma_wait3A_821, %dma_wait3A_822] : memref<10240x128xf32, #tpu.memory_space<vmem_shared>> -> memref<10240x128xf32, #tpu.memory_space<vmem_shared>>
        tpu.wait_indirect_dma semaphore(%arg32 : memref<!tpu.dma_semaphore, #tpu.memory_space<semaphore_mem>>) src(%arg13 : memref<40x128xf32, #tpu.memory_space<vmem>>) dst(%dma_wait3A_823 : memref<10240x128xf32, #tpu.memory_space<vmem_shared>>)
        %add3A_824 = arith.constant 4 : i32
        %add3A_825 = arith.addi %add3A_756, %add3A_824 : i32
        %mul3A_826 = arith.constant 40 : i32
        %mul3A_827 = arith.muli %add3A_825, %mul3A_826 : i32
        %add3A_828 = arith.addi %mul3A_2, %mul3A_827 : i32
        %dma_wait3A_829 = arith.constant 4 : i32
        %dma_wait3A_830 = arith.constant 0 : i32
        %dma_wait3A_831 = tpu.memref_slice %arg7[%dma_wait3A_829, %dma_wait3A_830] : memref<6x40xi32, #tpu.memory_space<vmem>> -> memref<1x40xi32, #tpu.memory_space<vmem>>
        %dma_wait3A_832 = tpu.memref_squeeze %dma_wait3A_831 : memref<1x40xi32, #tpu.memory_space<vmem>> -> memref<40xi32, #tpu.memory_space<vmem>>
        %dma_wait3A_833 = tpu.memref_slice %arg3[%add3A_828] : memref<320000xi32, #tpu.memory_space<hbm>> -> memref<40xi32, #tpu.memory_space<hbm>>
        %dma_wait3A_834 = arith.constant 0 : i32
        %dma_wait3A_835 = tpu.memref_slice %arg7[%dma_wait3A_829, %dma_wait3A_834] : memref<6x40xi32, #tpu.memory_space<vmem>> -> memref<1x40xi32, #tpu.memory_space<vmem>>
        %dma_wait3A_836 = tpu.memref_squeeze %dma_wait3A_835 : memref<1x40xi32, #tpu.memory_space<vmem>> -> memref<40xi32, #tpu.memory_space<vmem>>
        %dma_wait3A_837 = tpu.memref_slice %arg3[%add3A_828] : memref<320000xi32, #tpu.memory_space<hbm>> -> memref<40xi32, #tpu.memory_space<hbm>>
        tpu.wait_dma2 semaphore(%arg20 : memref<!tpu.dma_semaphore, #tpu.memory_space<semaphore_mem>>) src(%dma_wait3A_837 : memref<40xi32, #tpu.memory_space<hbm>>) dst(%dma_wait3A_836 : memref<40xi32, #tpu.memory_space<vmem>>)
        %add3A_838 = arith.constant 4 : i32
        %add3A_839 = arith.addi %add3A_756, %add3A_838 : i32
        %dma_start3A_840 = arith.constant 4 : i32
        %dma_start3A_841 = arith.constant 0 : i32
        %dma_start3A_842 = tpu.memref_slice %arg7[%dma_start3A_840, %dma_start3A_841] : memref<6x40xi32, #tpu.memory_space<vmem>> -> memref<1x40xi32, #tpu.memory_space<vmem>>
        %dma_start3A_843 = tpu.memref_squeeze %dma_start3A_842 : memref<1x40xi32, #tpu.memory_space<vmem>> -> memref<40xi32, #tpu.memory_space<vmem>>
        %dma_start3A_844 = arith.constant 0 : i32
        %dma_start3A_845 = arith.constant 0 : i32
        %dma_start3A_846 = tpu.memref_slice %arg2[%dma_start3A_844, %dma_start3A_845] : memref<10000x128xf32, #tpu.memory_space<hbm>> -> memref<10000x128xf32, #tpu.memory_space<hbm>>
        tpu.enqueue_indirect_dma source(%dma_start3A_846 : memref<10000x128xf32, #tpu.memory_space<hbm>>) target(%arg13 : memref<40x128xf32, #tpu.memory_space<vmem>>) offsets(%dma_start3A_843 : memref<40xi32, #tpu.memory_space<vmem>>) semaphore(%arg26 : memref<!tpu.dma_semaphore, #tpu.memory_space<semaphore_mem>>)
      } else {
      }
      %mul3A_784 = arith.constant 6 : i32
      %mul3A_785 = arith.muli %mul3A_784, %scan3A_621 : i32
      %add3A_786 = arith.constant 5 : i32
      %add3A_787 = arith.addi %mul3A_785, %add3A_786 : i32
      %add3A_788 = arith.constant 2 : i32
      %add3A_789 = arith.addi %add3A_787, %add3A_788 : i32
      %dma_wait3A_790 = arith.constant 1 : i32
      %dma_wait3A_791 = arith.constant 0 : i32
      %dma_wait3A_792 = tpu.memref_slice %arg7[%dma_wait3A_790, %dma_wait3A_791] : memref<6x40xi32, #tpu.memory_space<vmem>> -> memref<1x40xi32, #tpu.memory_space<vmem>>
      %dma_wait3A_793 = tpu.memref_squeeze %dma_wait3A_792 : memref<1x40xi32, #tpu.memory_space<vmem>> -> memref<40xi32, #tpu.memory_space<vmem>>
      %dma_wait3A_794 = arith.constant 0 : i32
      %dma_wait3A_795 = arith.constant 0 : i32
      %dma_wait3A_796 = tpu.memref_slice %arg2[%dma_wait3A_794, %dma_wait3A_795] : memref<10000x128xf32, #tpu.memory_space<hbm>> -> memref<10000x128xf32, #tpu.memory_space<hbm>>
      tpu.wait_indirect_dma semaphore(%arg23 : memref<!tpu.dma_semaphore, #tpu.memory_space<semaphore_mem>>) src(%dma_wait3A_796 : memref<10000x128xf32, #tpu.memory_space<hbm>>) dst(%arg10 : memref<40x128xf32, #tpu.memory_space<vmem>>)
      %dma_start3A_797 = arith.constant 0 : i32
      %dma_start3A_798 = tpu.memref_slice %arg8[%add3A_789, %dma_start3A_797] : memref<250x40xi32, #tpu.memory_space<vmem>> -> memref<1x40xi32, #tpu.memory_space<vmem>>
      %dma_start3A_799 = tpu.memref_squeeze %dma_start3A_798 : memref<1x40xi32, #tpu.memory_space<vmem>> -> memref<40xi32, #tpu.memory_space<vmem>>
      %dma_start3A_800 = arith.constant 0 : i32
      %dma_start3A_801 = arith.constant 0 : i32
      %dma_start3A_802 = tpu.memref_slice %arg15[%dma_start3A_800, %dma_start3A_801] : memref<10240x128xf32, #tpu.memory_space<vmem_shared>> -> memref<10240x128xf32, #tpu.memory_space<vmem_shared>>
      tpu.enqueue_indirect_dma source(%arg10 : memref<40x128xf32, #tpu.memory_space<vmem>>) target(%dma_start3A_802 : memref<10240x128xf32, #tpu.memory_space<vmem_shared>>) offsets(%dma_start3A_799 : memref<40xi32, #tpu.memory_space<vmem>>) semaphore(%arg29 : memref<!tpu.dma_semaphore, #tpu.memory_space<semaphore_mem>>) {add = true}
      %add3A_803 = arith.constant 6 : i32
      %add3A_804 = arith.addi %add3A_789, %add3A_803 : i32
      %lt3A_805 = arith.constant 250 : i32
      %lt3A_806 = arith.cmpi slt, %add3A_804, %lt3A_805 : i32
      %convert_element_type3A_807 = arith.extui %lt3A_806 : i1 to i32
      %cond3A_808 = arith.constant 0 : i32
      %cond3A_809 = arith.cmpi ne, %convert_element_type3A_807, %cond3A_808 : i32
      scf.if %cond3A_809 {
        %add3A_817 = arith.constant 6 : i32
        %add3A_818 = arith.addi %add3A_789, %add3A_817 : i32
        %mul3A_819 = arith.constant 40 : i32
        %mul3A_820 = arith.muli %add3A_818, %mul3A_819 : i32
        %add3A_821 = arith.addi %mul3A_2, %mul3A_820 : i32
        %dma_start3A_822 = arith.constant 1 : i32
        %dma_start3A_823 = arith.constant 0 : i32
        %dma_start3A_824 = tpu.memref_slice %arg7[%dma_start3A_822, %dma_start3A_823] : memref<6x40xi32, #tpu.memory_space<vmem>> -> memref<1x40xi32, #tpu.memory_space<vmem>>
        %dma_start3A_825 = tpu.memref_squeeze %dma_start3A_824 : memref<1x40xi32, #tpu.memory_space<vmem>> -> memref<40xi32, #tpu.memory_space<vmem>>
        %dma_start3A_826 = tpu.memref_slice %arg3[%add3A_821] : memref<320000xi32, #tpu.memory_space<hbm>> -> memref<40xi32, #tpu.memory_space<hbm>>
        %dma_start3A_827 = arith.constant 0 : i32
        %dma_start3A_828 = tpu.memref_slice %arg7[%dma_start3A_822, %dma_start3A_827] : memref<6x40xi32, #tpu.memory_space<vmem>> -> memref<1x40xi32, #tpu.memory_space<vmem>>
        %dma_start3A_829 = tpu.memref_squeeze %dma_start3A_828 : memref<1x40xi32, #tpu.memory_space<vmem>> -> memref<40xi32, #tpu.memory_space<vmem>>
        %dma_start3A_830 = tpu.memref_slice %arg3[%add3A_821] : memref<320000xi32, #tpu.memory_space<hbm>> -> memref<40xi32, #tpu.memory_space<hbm>>
        tpu.enqueue_dma source(%dma_start3A_830 : memref<40xi32, #tpu.memory_space<hbm>>) target(%dma_start3A_829 : memref<40xi32, #tpu.memory_space<vmem>>) target_semaphore(%arg17 : memref<!tpu.dma_semaphore, #tpu.memory_space<semaphore_mem>>)
      } else {
      }
      %add3A_810 = arith.constant 4 : i32
      %add3A_811 = arith.addi %add3A_789, %add3A_810 : i32
      %lt3A_812 = arith.constant 250 : i32
      %lt3A_813 = arith.cmpi slt, %add3A_811, %lt3A_812 : i32
      %convert_element_type3A_814 = arith.extui %lt3A_813 : i1 to i32
      %cond3A_815 = arith.constant 0 : i32
      %cond3A_816 = arith.cmpi ne, %convert_element_type3A_814, %cond3A_815 : i32
      scf.if %cond3A_816 {
        %dma_wait3A_817 = arith.constant 0 : i32
        %dma_wait3A_818 = arith.constant 0 : i32
        %dma_wait3A_819 = tpu.memref_slice %arg8[%dma_wait3A_817, %dma_wait3A_818] : memref<250x40xi32, #tpu.memory_space<vmem>> -> memref<1x40xi32, #tpu.memory_space<vmem>>
        %dma_wait3A_820 = tpu.memref_squeeze %dma_wait3A_819 : memref<1x40xi32, #tpu.memory_space<vmem>> -> memref<40xi32, #tpu.memory_space<vmem>>
        %dma_wait3A_821 = arith.constant 0 : i32
        %dma_wait3A_822 = arith.constant 0 : i32
        %dma_wait3A_823 = tpu.memref_slice %arg15[%dma_wait3A_821, %dma_wait3A_822] : memref<10240x128xf32, #tpu.memory_space<vmem_shared>> -> memref<10240x128xf32, #tpu.memory_space<vmem_shared>>
        tpu.wait_indirect_dma semaphore(%arg33 : memref<!tpu.dma_semaphore, #tpu.memory_space<semaphore_mem>>) src(%arg14 : memref<40x128xf32, #tpu.memory_space<vmem>>) dst(%dma_wait3A_823 : memref<10240x128xf32, #tpu.memory_space<vmem_shared>>)
        %add3A_824 = arith.constant 4 : i32
        %add3A_825 = arith.addi %add3A_789, %add3A_824 : i32
        %mul3A_826 = arith.constant 40 : i32
        %mul3A_827 = arith.muli %add3A_825, %mul3A_826 : i32
        %add3A_828 = arith.addi %mul3A_2, %mul3A_827 : i32
        %dma_wait3A_829 = arith.constant 5 : i32
        %dma_wait3A_830 = arith.constant 0 : i32
        %dma_wait3A_831 = tpu.memref_slice %arg7[%dma_wait3A_829, %dma_wait3A_830] : memref<6x40xi32, #tpu.memory_space<vmem>> -> memref<1x40xi32, #tpu.memory_space<vmem>>
        %dma_wait3A_832 = tpu.memref_squeeze %dma_wait3A_831 : memref<1x40xi32, #tpu.memory_space<vmem>> -> memref<40xi32, #tpu.memory_space<vmem>>
        %dma_wait3A_833 = tpu.memref_slice %arg3[%add3A_828] : memref<320000xi32, #tpu.memory_space<hbm>> -> memref<40xi32, #tpu.memory_space<hbm>>
        %dma_wait3A_834 = arith.constant 0 : i32
        %dma_wait3A_835 = tpu.memref_slice %arg7[%dma_wait3A_829, %dma_wait3A_834] : memref<6x40xi32, #tpu.memory_space<vmem>> -> memref<1x40xi32, #tpu.memory_space<vmem>>
        %dma_wait3A_836 = tpu.memref_squeeze %dma_wait3A_835 : memref<1x40xi32, #tpu.memory_space<vmem>> -> memref<40xi32, #tpu.memory_space<vmem>>
        %dma_wait3A_837 = tpu.memref_slice %arg3[%add3A_828] : memref<320000xi32, #tpu.memory_space<hbm>> -> memref<40xi32, #tpu.memory_space<hbm>>
        tpu.wait_dma2 semaphore(%arg21 : memref<!tpu.dma_semaphore, #tpu.memory_space<semaphore_mem>>) src(%dma_wait3A_837 : memref<40xi32, #tpu.memory_space<hbm>>) dst(%dma_wait3A_836 : memref<40xi32, #tpu.memory_space<vmem>>)
        %add3A_838 = arith.constant 4 : i32
        %add3A_839 = arith.addi %add3A_789, %add3A_838 : i32
        %dma_start3A_840 = arith.constant 5 : i32
        %dma_start3A_841 = arith.constant 0 : i32
        %dma_start3A_842 = tpu.memref_slice %arg7[%dma_start3A_840, %dma_start3A_841] : memref<6x40xi32, #tpu.memory_space<vmem>> -> memref<1x40xi32, #tpu.memory_space<vmem>>
        %dma_start3A_843 = tpu.memref_squeeze %dma_start3A_842 : memref<1x40xi32, #tpu.memory_space<vmem>> -> memref<40xi32, #tpu.memory_space<vmem>>
        %dma_start3A_844 = arith.constant 0 : i32
        %dma_start3A_845 = arith.constant 0 : i32
        %dma_start3A_846 = tpu.memref_slice %arg2[%dma_start3A_844, %dma_start3A_845] : memref<10000x128xf32, #tpu.memory_space<hbm>> -> memref<10000x128xf32, #tpu.memory_space<hbm>>
        tpu.enqueue_indirect_dma source(%dma_start3A_846 : memref<10000x128xf32, #tpu.memory_space<hbm>>) target(%arg14 : memref<40x128xf32, #tpu.memory_space<vmem>>) offsets(%dma_start3A_843 : memref<40xi32, #tpu.memory_space<vmem>>) semaphore(%arg27 : memref<!tpu.dma_semaphore, #tpu.memory_space<semaphore_mem>>)
      } else {
      }
    }
    %scan3A_508 = arith.constant 41 : i32
    %dma_wait3A_509 = arith.constant 2 : i32
    %dma_wait3A_510 = arith.constant 0 : i32
    %dma_wait3A_511 = tpu.memref_slice %arg7[%dma_wait3A_509, %dma_wait3A_510] : memref<6x40xi32, #tpu.memory_space<vmem>> -> memref<1x40xi32, #tpu.memory_space<vmem>>
    %dma_wait3A_512 = tpu.memref_squeeze %dma_wait3A_511 : memref<1x40xi32, #tpu.memory_space<vmem>> -> memref<40xi32, #tpu.memory_space<vmem>>
    %dma_wait3A_513 = arith.constant 0 : i32
    %dma_wait3A_514 = arith.constant 0 : i32
    %dma_wait3A_515 = tpu.memref_slice %arg2[%dma_wait3A_513, %dma_wait3A_514] : memref<10000x128xf32, #tpu.memory_space<hbm>> -> memref<10000x128xf32, #tpu.memory_space<hbm>>
    tpu.wait_indirect_dma semaphore(%arg24 : memref<!tpu.dma_semaphore, #tpu.memory_space<semaphore_mem>>) src(%dma_wait3A_515 : memref<10000x128xf32, #tpu.memory_space<hbm>>) dst(%arg11 : memref<40x128xf32, #tpu.memory_space<vmem>>)
    %dma_start3A_516 = arith.constant 248 : i32
    %dma_start3A_517 = arith.constant 0 : i32
    %dma_start3A_518 = tpu.memref_slice %arg8[%dma_start3A_516, %dma_start3A_517] : memref<250x40xi32, #tpu.memory_space<vmem>> -> memref<1x40xi32, #tpu.memory_space<vmem>>
    %dma_start3A_519 = tpu.memref_squeeze %dma_start3A_518 : memref<1x40xi32, #tpu.memory_space<vmem>> -> memref<40xi32, #tpu.memory_space<vmem>>
    %dma_start3A_520 = arith.constant 0 : i32
    %dma_start3A_521 = arith.constant 0 : i32
    %dma_start3A_522 = tpu.memref_slice %arg15[%dma_start3A_520, %dma_start3A_521] : memref<10240x128xf32, #tpu.memory_space<vmem_shared>> -> memref<10240x128xf32, #tpu.memory_space<vmem_shared>>
    tpu.enqueue_indirect_dma source(%arg11 : memref<40x128xf32, #tpu.memory_space<vmem>>) target(%dma_start3A_522 : memref<10240x128xf32, #tpu.memory_space<vmem_shared>>) offsets(%dma_start3A_519 : memref<40xi32, #tpu.memory_space<vmem>>) semaphore(%arg30 : memref<!tpu.dma_semaphore, #tpu.memory_space<semaphore_mem>>) {add = true}
    %dma_wait3A_523 = arith.constant 3 : i32
    %dma_wait3A_524 = arith.constant 0 : i32
    %dma_wait3A_525 = tpu.memref_slice %arg7[%dma_wait3A_523, %dma_wait3A_524] : memref<6x40xi32, #tpu.memory_space<vmem>> -> memref<1x40xi32, #tpu.memory_space<vmem>>
    %dma_wait3A_526 = tpu.memref_squeeze %dma_wait3A_525 : memref<1x40xi32, #tpu.memory_space<vmem>> -> memref<40xi32, #tpu.memory_space<vmem>>
    %dma_wait3A_527 = arith.constant 0 : i32
    %dma_wait3A_528 = arith.constant 0 : i32
    %dma_wait3A_529 = tpu.memref_slice %arg2[%dma_wait3A_527, %dma_wait3A_528] : memref<10000x128xf32, #tpu.memory_space<hbm>> -> memref<10000x128xf32, #tpu.memory_space<hbm>>
    tpu.wait_indirect_dma semaphore(%arg25 : memref<!tpu.dma_semaphore, #tpu.memory_space<semaphore_mem>>) src(%dma_wait3A_529 : memref<10000x128xf32, #tpu.memory_space<hbm>>) dst(%arg12 : memref<40x128xf32, #tpu.memory_space<vmem>>)
    %dma_start3A_530 = arith.constant 249 : i32
    %dma_start3A_531 = arith.constant 0 : i32
    %dma_start3A_532 = tpu.memref_slice %arg8[%dma_start3A_530, %dma_start3A_531] : memref<250x40xi32, #tpu.memory_space<vmem>> -> memref<1x40xi32, #tpu.memory_space<vmem>>
    %dma_start3A_533 = tpu.memref_squeeze %dma_start3A_532 : memref<1x40xi32, #tpu.memory_space<vmem>> -> memref<40xi32, #tpu.memory_space<vmem>>
    %dma_start3A_534 = arith.constant 0 : i32
    %dma_start3A_535 = arith.constant 0 : i32
    %dma_start3A_536 = tpu.memref_slice %arg15[%dma_start3A_534, %dma_start3A_535] : memref<10240x128xf32, #tpu.memory_space<vmem_shared>> -> memref<10240x128xf32, #tpu.memory_space<vmem_shared>>
    tpu.enqueue_indirect_dma source(%arg12 : memref<40x128xf32, #tpu.memory_space<vmem>>) target(%dma_start3A_536 : memref<10240x128xf32, #tpu.memory_space<vmem_shared>>) offsets(%dma_start3A_533 : memref<40xi32, #tpu.memory_space<vmem>>) semaphore(%arg31 : memref<!tpu.dma_semaphore, #tpu.memory_space<semaphore_mem>>) {add = true}
    %dma_wait3A_537 = arith.constant 0 : i32
    %dma_wait3A_538 = arith.constant 0 : i32
    %dma_wait3A_539 = tpu.memref_slice %arg8[%dma_wait3A_537, %dma_wait3A_538] : memref<250x40xi32, #tpu.memory_space<vmem>> -> memref<1x40xi32, #tpu.memory_space<vmem>>
    %dma_wait3A_540 = tpu.memref_squeeze %dma_wait3A_539 : memref<1x40xi32, #tpu.memory_space<vmem>> -> memref<40xi32, #tpu.memory_space<vmem>>
    %dma_wait3A_541 = arith.constant 0 : i32
    %dma_wait3A_542 = arith.constant 0 : i32
    %dma_wait3A_543 = tpu.memref_slice %arg15[%dma_wait3A_541, %dma_wait3A_542] : memref<10240x128xf32, #tpu.memory_space<vmem_shared>> -> memref<10240x128xf32, #tpu.memory_space<vmem_shared>>
    tpu.wait_indirect_dma semaphore(%arg28 : memref<!tpu.dma_semaphore, #tpu.memory_space<semaphore_mem>>) src(%arg9 : memref<40x128xf32, #tpu.memory_space<vmem>>) dst(%dma_wait3A_543 : memref<10240x128xf32, #tpu.memory_space<vmem_shared>>)
    %dma_wait3A_544 = arith.constant 0 : i32
    %dma_wait3A_545 = arith.constant 0 : i32
    %dma_wait3A_546 = tpu.memref_slice %arg8[%dma_wait3A_544, %dma_wait3A_545] : memref<250x40xi32, #tpu.memory_space<vmem>> -> memref<1x40xi32, #tpu.memory_space<vmem>>
    %dma_wait3A_547 = tpu.memref_squeeze %dma_wait3A_546 : memref<1x40xi32, #tpu.memory_space<vmem>> -> memref<40xi32, #tpu.memory_space<vmem>>
    %dma_wait3A_548 = arith.constant 0 : i32
    %dma_wait3A_549 = arith.constant 0 : i32
    %dma_wait3A_550 = tpu.memref_slice %arg15[%dma_wait3A_548, %dma_wait3A_549] : memref<10240x128xf32, #tpu.memory_space<vmem_shared>> -> memref<10240x128xf32, #tpu.memory_space<vmem_shared>>
    tpu.wait_indirect_dma semaphore(%arg29 : memref<!tpu.dma_semaphore, #tpu.memory_space<semaphore_mem>>) src(%arg10 : memref<40x128xf32, #tpu.memory_space<vmem>>) dst(%dma_wait3A_550 : memref<10240x128xf32, #tpu.memory_space<vmem_shared>>)
    %dma_wait3A_551 = arith.constant 0 : i32
    %dma_wait3A_552 = arith.constant 0 : i32
    %dma_wait3A_553 = tpu.memref_slice %arg8[%dma_wait3A_551, %dma_wait3A_552] : memref<250x40xi32, #tpu.memory_space<vmem>> -> memref<1x40xi32, #tpu.memory_space<vmem>>
    %dma_wait3A_554 = tpu.memref_squeeze %dma_wait3A_553 : memref<1x40xi32, #tpu.memory_space<vmem>> -> memref<40xi32, #tpu.memory_space<vmem>>
    %dma_wait3A_555 = arith.constant 0 : i32
    %dma_wait3A_556 = arith.constant 0 : i32
    %dma_wait3A_557 = tpu.memref_slice %arg15[%dma_wait3A_555, %dma_wait3A_556] : memref<10240x128xf32, #tpu.memory_space<vmem_shared>> -> memref<10240x128xf32, #tpu.memory_space<vmem_shared>>
    tpu.wait_indirect_dma semaphore(%arg30 : memref<!tpu.dma_semaphore, #tpu.memory_space<semaphore_mem>>) src(%arg11 : memref<40x128xf32, #tpu.memory_space<vmem>>) dst(%dma_wait3A_557 : memref<10240x128xf32, #tpu.memory_space<vmem_shared>>)
    %dma_wait3A_558 = arith.constant 0 : i32
    %dma_wait3A_559 = arith.constant 0 : i32
    %dma_wait3A_560 = tpu.memref_slice %arg8[%dma_wait3A_558, %dma_wait3A_559] : memref<250x40xi32, #tpu.memory_space<vmem>> -> memref<1x40xi32, #tpu.memory_space<vmem>>
    %dma_wait3A_561 = tpu.memref_squeeze %dma_wait3A_560 : memref<1x40xi32, #tpu.memory_space<vmem>> -> memref<40xi32, #tpu.memory_space<vmem>>
    %dma_wait3A_562 = arith.constant 0 : i32
    %dma_wait3A_563 = arith.constant 0 : i32
    %dma_wait3A_564 = tpu.memref_slice %arg15[%dma_wait3A_562, %dma_wait3A_563] : memref<10240x128xf32, #tpu.memory_space<vmem_shared>> -> memref<10240x128xf32, #tpu.memory_space<vmem_shared>>
    tpu.wait_indirect_dma semaphore(%arg31 : memref<!tpu.dma_semaphore, #tpu.memory_space<semaphore_mem>>) src(%arg12 : memref<40x128xf32, #tpu.memory_space<vmem>>) dst(%dma_wait3A_564 : memref<10240x128xf32, #tpu.memory_space<vmem_shared>>)
    %dma_wait3A_565 = arith.constant 0 : i32
    %dma_wait3A_566 = arith.constant 0 : i32
    %dma_wait3A_567 = tpu.memref_slice %arg8[%dma_wait3A_565, %dma_wait3A_566] : memref<250x40xi32, #tpu.memory_space<vmem>> -> memref<1x40xi32, #tpu.memory_space<vmem>>
    %dma_wait3A_568 = tpu.memref_squeeze %dma_wait3A_567 : memref<1x40xi32, #tpu.memory_space<vmem>> -> memref<40xi32, #tpu.memory_space<vmem>>
    %dma_wait3A_569 = arith.constant 0 : i32
    %dma_wait3A_570 = arith.constant 0 : i32
    %dma_wait3A_571 = tpu.memref_slice %arg15[%dma_wait3A_569, %dma_wait3A_570] : memref<10240x128xf32, #tpu.memory_space<vmem_shared>> -> memref<10240x128xf32, #tpu.memory_space<vmem_shared>>
    tpu.wait_indirect_dma semaphore(%arg32 : memref<!tpu.dma_semaphore, #tpu.memory_space<semaphore_mem>>) src(%arg13 : memref<40x128xf32, #tpu.memory_space<vmem>>) dst(%dma_wait3A_571 : memref<10240x128xf32, #tpu.memory_space<vmem_shared>>)
    %dma_wait3A_572 = arith.constant 0 : i32
    %dma_wait3A_573 = arith.constant 0 : i32
    %dma_wait3A_574 = tpu.memref_slice %arg8[%dma_wait3A_572, %dma_wait3A_573] : memref<250x40xi32, #tpu.memory_space<vmem>> -> memref<1x40xi32, #tpu.memory_space<vmem>>
    %dma_wait3A_575 = tpu.memref_squeeze %dma_wait3A_574 : memref<1x40xi32, #tpu.memory_space<vmem>> -> memref<40xi32, #tpu.memory_space<vmem>>
    %dma_wait3A_576 = arith.constant 0 : i32
    %dma_wait3A_577 = arith.constant 0 : i32
    %dma_wait3A_578 = tpu.memref_slice %arg15[%dma_wait3A_576, %dma_wait3A_577] : memref<10240x128xf32, #tpu.memory_space<vmem_shared>> -> memref<10240x128xf32, #tpu.memory_space<vmem_shared>>
    tpu.wait_indirect_dma semaphore(%arg33 : memref<!tpu.dma_semaphore, #tpu.memory_space<semaphore_mem>>) src(%arg14 : memref<40x128xf32, #tpu.memory_space<vmem>>) dst(%dma_wait3A_578 : memref<10240x128xf32, #tpu.memory_space<vmem_shared>>)
    %barrier3A_579 = arith.constant 0 : index
    tpu.barrier barrier_id(%barrier3A_579)
    %mul3A_580 = arith.constant 640 : i32
    %mul3A_581 = arith.muli %arg1, %mul3A_580 : i32
    %mul3A_582 = arith.constant 640 : i32
    %mul3A_583 = arith.muli %arg1, %mul3A_582 : i32
    %dma_start3A_584 = arith.constant 0 : i32
    %dma_start3A_585 = tpu.memref_slice %arg5[%arg0, %mul3A_583, %dma_start3A_584] : memref<2x10240x128xf32, #tpu.memory_space<hbm>> -> memref<1x640x128xf32, #tpu.memory_space<hbm>>
    %dma_start3A_586 = tpu.memref_squeeze %dma_start3A_585 : memref<1x640x128xf32, #tpu.memory_space<hbm>> -> memref<640x128xf32, #tpu.memory_space<hbm>>
    %dma_start3A_587 = arith.constant 0 : i32
    %dma_start3A_588 = tpu.memref_slice %arg15[%mul3A_581, %dma_start3A_587] : memref<10240x128xf32, #tpu.memory_space<vmem_shared>> -> memref<640x128xf32, #tpu.memory_space<vmem_shared>>
    tpu.enqueue_dma source(%dma_start3A_588 : memref<640x128xf32, #tpu.memory_space<vmem_shared>>) target(%dma_start3A_586 : memref<640x128xf32, #tpu.memory_space<hbm>>) target_semaphore(%arg27 : memref<!tpu.dma_semaphore, #tpu.memory_space<semaphore_mem>>)
    %scan3A_589 = arith.constant 0 : i32
    %scan3A_590 = arith.constant 0 : i32
    %scan3A_591 = arith.constant 40 : i32
    %scan3A_592 = arith.addi %scan3A_590, %scan3A_591 : i32
    %scan3A_593 = arith.constant 1 : i32
    scf.for %scan3A_621 = %scan3A_590 to %scan3A_592 step %scan3A_593  : i32 {
      %swap3A = arith.index_cast %scan3A_621 : i32 to index
      %swap3A_622 = arith.constant 0 : index
      %swap3A_623 = tpu.vector_load %arg9[%swap3A, %swap3A_622] {strides = array<i32>} : memref<40x128xf32, #tpu.memory_space<vmem>>, vector<16xf32>,
      tpu.vector_store %arg9[%swap3A, %swap3A_622], %broadcast_in_dim3A_10 {strides = array<i32>} : memref<40x128xf32, #tpu.memory_space<vmem>>, vector<16xf32>,
      %swap3A_624 = arith.index_cast %scan3A_621 : i32 to index
      %swap3A_625 = arith.constant 16 : index
      %swap3A_626 = tpu.vector_load %arg9[%swap3A_624, %swap3A_625] {strides = array<i32>} : memref<40x128xf32, #tpu.memory_space<vmem>>, vector<16xf32>,
      tpu.vector_store %arg9[%swap3A_624, %swap3A_625], %broadcast_in_dim3A_10 {strides = array<i32>} : memref<40x128xf32, #tpu.memory_space<vmem>>, vector<16xf32>,
      %swap3A_627 = arith.index_cast %scan3A_621 : i32 to index
      %swap3A_628 = arith.constant 32 : index
      %swap3A_629 = tpu.vector_load %arg9[%swap3A_627, %swap3A_628] {strides = array<i32>} : memref<40x128xf32, #tpu.memory_space<vmem>>, vector<16xf32>,
      tpu.vector_store %arg9[%swap3A_627, %swap3A_628], %broadcast_in_dim3A_10 {strides = array<i32>} : memref<40x128xf32, #tpu.memory_space<vmem>>, vector<16xf32>,
      %swap3A_630 = arith.index_cast %scan3A_621 : i32 to index
      %swap3A_631 = arith.constant 48 : index
      %swap3A_632 = tpu.vector_load %arg9[%swap3A_630, %swap3A_631] {strides = array<i32>} : memref<40x128xf32, #tpu.memory_space<vmem>>, vector<16xf32>,
      tpu.vector_store %arg9[%swap3A_630, %swap3A_631], %broadcast_in_dim3A_10 {strides = array<i32>} : memref<40x128xf32, #tpu.memory_space<vmem>>, vector<16xf32>,
      %swap3A_633 = arith.index_cast %scan3A_621 : i32 to index
      %swap3A_634 = arith.constant 64 : index
      %swap3A_635 = tpu.vector_load %arg9[%swap3A_633, %swap3A_634] {strides = array<i32>} : memref<40x128xf32, #tpu.memory_space<vmem>>, vector<16xf32>,
      tpu.vector_store %arg9[%swap3A_633, %swap3A_634], %broadcast_in_dim3A_10 {strides = array<i32>} : memref<40x128xf32, #tpu.memory_space<vmem>>, vector<16xf32>,
      %swap3A_636 = arith.index_cast %scan3A_621 : i32 to index
      %swap3A_637 = arith.constant 80 : index
      %swap3A_638 = tpu.vector_load %arg9[%swap3A_636, %swap3A_637] {strides = array<i32>} : memref<40x128xf32, #tpu.memory_space<vmem>>, vector<16xf32>,
      tpu.vector_store %arg9[%swap3A_636, %swap3A_637], %broadcast_in_dim3A_10 {strides = array<i32>} : memref<40x128xf32, #tpu.memory_space<vmem>>, vector<16xf32>,
      %swap3A_639 = arith.index_cast %scan3A_621 : i32 to index
      %swap3A_640 = arith.constant 96 : index
      %swap3A_641 = tpu.vector_load %arg9[%swap3A_639, %swap3A_640] {strides = array<i32>} : memref<40x128xf32, #tpu.memory_space<vmem>>, vector<16xf32>,
      tpu.vector_store %arg9[%swap3A_639, %swap3A_640], %broadcast_in_dim3A_10 {strides = array<i32>} : memref<40x128xf32, #tpu.memory_space<vmem>>, vector<16xf32>,
      %swap3A_642 = arith.index_cast %scan3A_621 : i32 to index
      %swap3A_643 = arith.constant 112 : index
      %swap3A_644 = tpu.vector_load %arg9[%swap3A_642, %swap3A_643] {strides = array<i32>} : memref<40x128xf32, #tpu.memory_space<vmem>>, vector<16xf32>,
      tpu.vector_store %arg9[%swap3A_642, %swap3A_643], %broadcast_in_dim3A_10 {strides = array<i32>} : memref<40x128xf32, #tpu.memory_space<vmem>>, vector<16xf32>,
    }
    %scan3A_594 = arith.constant 40 : i32
    %scan3A_595 = arith.constant 0 : i32
    %scan3A_596 = arith.constant 0 : i32
    %scan3A_597 = arith.constant 40 : i32
    %scan3A_598 = arith.addi %scan3A_596, %scan3A_597 : i32
    %scan3A_599 = arith.constant 1 : i32
    scf.for %scan3A_621 = %scan3A_596 to %scan3A_598 step %scan3A_599  : i32 {
      %swap3A = arith.index_cast %scan3A_621 : i32 to index
      %swap3A_622 = arith.constant 0 : index
      %swap3A_623 = tpu.vector_load %arg10[%swap3A, %swap3A_622] {strides = array<i32>} : memref<40x128xf32, #tpu.memory_space<vmem>>, vector<16xf32>,
      tpu.vector_store %arg10[%swap3A, %swap3A_622], %broadcast_in_dim3A_10 {strides = array<i32>} : memref<40x128xf32, #tpu.memory_space<vmem>>, vector<16xf32>,
      %swap3A_624 = arith.index_cast %scan3A_621 : i32 to index
      %swap3A_625 = arith.constant 16 : index
      %swap3A_626 = tpu.vector_load %arg10[%swap3A_624, %swap3A_625] {strides = array<i32>} : memref<40x128xf32, #tpu.memory_space<vmem>>, vector<16xf32>,
      tpu.vector_store %arg10[%swap3A_624, %swap3A_625], %broadcast_in_dim3A_10 {strides = array<i32>} : memref<40x128xf32, #tpu.memory_space<vmem>>, vector<16xf32>,
      %swap3A_627 = arith.index_cast %scan3A_621 : i32 to index
      %swap3A_628 = arith.constant 32 : index
      %swap3A_629 = tpu.vector_load %arg10[%swap3A_627, %swap3A_628] {strides = array<i32>} : memref<40x128xf32, #tpu.memory_space<vmem>>, vector<16xf32>,
      tpu.vector_store %arg10[%swap3A_627, %swap3A_628], %broadcast_in_dim3A_10 {strides = array<i32>} : memref<40x128xf32, #tpu.memory_space<vmem>>, vector<16xf32>,
      %swap3A_630 = arith.index_cast %scan3A_621 : i32 to index
      %swap3A_631 = arith.constant 48 : index
      %swap3A_632 = tpu.vector_load %arg10[%swap3A_630, %swap3A_631] {strides = array<i32>} : memref<40x128xf32, #tpu.memory_space<vmem>>, vector<16xf32>,
      tpu.vector_store %arg10[%swap3A_630, %swap3A_631], %broadcast_in_dim3A_10 {strides = array<i32>} : memref<40x128xf32, #tpu.memory_space<vmem>>, vector<16xf32>,
      %swap3A_633 = arith.index_cast %scan3A_621 : i32 to index
      %swap3A_634 = arith.constant 64 : index
      %swap3A_635 = tpu.vector_load %arg10[%swap3A_633, %swap3A_634] {strides = array<i32>} : memref<40x128xf32, #tpu.memory_space<vmem>>, vector<16xf32>,
      tpu.vector_store %arg10[%swap3A_633, %swap3A_634], %broadcast_in_dim3A_10 {strides = array<i32>} : memref<40x128xf32, #tpu.memory_space<vmem>>, vector<16xf32>,
      %swap3A_636 = arith.index_cast %scan3A_621 : i32 to index
      %swap3A_637 = arith.constant 80 : index
      %swap3A_638 = tpu.vector_load %arg10[%swap3A_636, %swap3A_637] {strides = array<i32>} : memref<40x128xf32, #tpu.memory_space<vmem>>, vector<16xf32>,
      tpu.vector_store %arg10[%swap3A_636, %swap3A_637], %broadcast_in_dim3A_10 {strides = array<i32>} : memref<40x128xf32, #tpu.memory_space<vmem>>, vector<16xf32>,
      %swap3A_639 = arith.index_cast %scan3A_621 : i32 to index
      %swap3A_640 = arith.constant 96 : index
      %swap3A_641 = tpu.vector_load %arg10[%swap3A_639, %swap3A_640] {strides = array<i32>} : memref<40x128xf32, #tpu.memory_space<vmem>>, vector<16xf32>,
      tpu.vector_store %arg10[%swap3A_639, %swap3A_640], %broadcast_in_dim3A_10 {strides = array<i32>} : memref<40x128xf32, #tpu.memory_space<vmem>>, vector<16xf32>,
      %swap3A_642 = arith.index_cast %scan3A_621 : i32 to index
      %swap3A_643 = arith.constant 112 : index
      %swap3A_644 = tpu.vector_load %arg10[%swap3A_642, %swap3A_643] {strides = array<i32>} : memref<40x128xf32, #tpu.memory_space<vmem>>, vector<16xf32>,
      tpu.vector_store %arg10[%swap3A_642, %swap3A_643], %broadcast_in_dim3A_10 {strides = array<i32>} : memref<40x128xf32, #tpu.memory_space<vmem>>, vector<16xf32>,
    }
    %scan3A_600 = arith.constant 40 : i32
    %broadcast_in_dim3A_601 = arith.constant 1.000000e+00 : f32
    %broadcast_in_dim3A_602 = vector.broadcast %broadcast_in_dim3A_601 : f32 to vector<16xf32>
    %iota3A = tpu.iota {dimensions = array<i32: 0>} : vector<16xi32>
    %ge3A = arith.constant 8 : i32
    %ge3A_603 = vector.broadcast %ge3A : i32 to vector<16xi32>
    %ge3A_604 = arith.cmpi sge, %iota3A, %ge3A_603 : vector<16xi32>
    %scan3A_605 = arith.constant 0 : i32
    %scan3A_606 = arith.constant 0 : i32
    %scan3A_607 = arith.constant 250 : i32
    %scan3A_608 = arith.addi %scan3A_606, %scan3A_607 : i32
    %scan3A_609 = arith.constant 1 : i32
    scf.for %scan3A_621 = %scan3A_606 to %scan3A_608 step %scan3A_609  : i32 {
      %get3A = arith.index_cast %scan3A_621 : i32 to index
      %get3A_622 = arith.constant 0 : index
      %get3A_623 = tpu.vector_load %arg8[%get3A, %get3A_622] {strides = array<i32>} : memref<250x40xi32, #tpu.memory_space<vmem>>, vector<16xi32>,
      %shift_right_logical3A = arith.constant 7 : i32
      %shift_right_logical3A_624 = vector.broadcast %shift_right_logical3A : i32 to vector<16xi32>
      %shift_right_logical3A_625 = arith.shrui %get3A_623, %shift_right_logical3A_624 : vector<16xi32>
      %and3A = arith.constant 127 : i32
      %and3A_626 = vector.broadcast %and3A : i32 to vector<16xi32>
      %and3A_627 = arith.andi %get3A_623, %and3A_626 : vector<16xi32>
      %lt3A = arith.constant 40 : i32
      %lt3A_628 = vector.broadcast %lt3A : i32 to vector<16xi32>
      %lt3A_629 = arith.cmpi slt, %shift_right_logical3A_625, %lt3A_628 : vector<16xi32>
      %not3A = arith.constant dense<true> : vector<16xi1>
      %not3A_630 = arith.xori %lt3A_629, %not3A : vector<16xi1>
      tpu.vector_store_idx %arg9[%shift_right_logical3A_625, %and3A_627], %broadcast_in_dim3A_602 masked %lt3A_629 {add = true} : memref<40x128xf32, #tpu.memory_space<vmem>>[vector<16xi32>, vector<16xi32>], vector<16xf32>, vector<16xi1>
      %sub3A = arith.constant 40 : i32
      %sub3A_631 = vector.broadcast %sub3A : i32 to vector<16xi32>
      %sub3A_632 = arith.subi %shift_right_logical3A_625, %sub3A_631 : vector<16xi32>
      tpu.vector_store_idx %arg10[%sub3A_632, %and3A_627], %broadcast_in_dim3A_602 masked %not3A_630 {add = true} : memref<40x128xf32, #tpu.memory_space<vmem>>[vector<16xi32>, vector<16xi32>], vector<16xf32>, vector<16xi1>
      %get3A_633 = arith.index_cast %scan3A_621 : i32 to index
      %get3A_634 = arith.constant 16 : index
      %get3A_635 = tpu.vector_load %arg8[%get3A_633, %get3A_634] {strides = array<i32>} : memref<250x40xi32, #tpu.memory_space<vmem>>, vector<16xi32>,
      %shift_right_logical3A_636 = arith.constant 7 : i32
      %shift_right_logical3A_637 = vector.broadcast %shift_right_logical3A_636 : i32 to vector<16xi32>
      %shift_right_logical3A_638 = arith.shrui %get3A_635, %shift_right_logical3A_637 : vector<16xi32>
      %and3A_639 = arith.constant 127 : i32
      %and3A_640 = vector.broadcast %and3A_639 : i32 to vector<16xi32>
      %and3A_641 = arith.andi %get3A_635, %and3A_640 : vector<16xi32>
      %lt3A_642 = arith.constant 40 : i32
      %lt3A_643 = vector.broadcast %lt3A_642 : i32 to vector<16xi32>
      %lt3A_644 = arith.cmpi slt, %shift_right_logical3A_638, %lt3A_643 : vector<16xi32>
      %not3A_645 = arith.constant dense<true> : vector<16xi1>
      %not3A_646 = arith.xori %lt3A_644, %not3A_645 : vector<16xi1>
      tpu.vector_store_idx %arg9[%shift_right_logical3A_638, %and3A_641], %broadcast_in_dim3A_602 masked %lt3A_644 {add = true} : memref<40x128xf32, #tpu.memory_space<vmem>>[vector<16xi32>, vector<16xi32>], vector<16xf32>, vector<16xi1>
      %sub3A_647 = arith.constant 40 : i32
      %sub3A_648 = vector.broadcast %sub3A_647 : i32 to vector<16xi32>
      %sub3A_649 = arith.subi %shift_right_logical3A_638, %sub3A_648 : vector<16xi32>
      tpu.vector_store_idx %arg10[%sub3A_649, %and3A_641], %broadcast_in_dim3A_602 masked %not3A_646 {add = true} : memref<40x128xf32, #tpu.memory_space<vmem>>[vector<16xi32>, vector<16xi32>], vector<16xf32>, vector<16xi1>
      %get3A_650 = arith.index_cast %scan3A_621 : i32 to index
      %get3A_651 = arith.constant 24 : index
      %get3A_652 = tpu.vector_load %arg8[%get3A_650, %get3A_651] {strides = array<i32>} : memref<250x40xi32, #tpu.memory_space<vmem>>, vector<16xi32>,
      %shift_right_logical3A_653 = arith.constant 7 : i32
      %shift_right_logical3A_654 = vector.broadcast %shift_right_logical3A_653 : i32 to vector<16xi32>
      %shift_right_logical3A_655 = arith.shrui %get3A_652, %shift_right_logical3A_654 : vector<16xi32>
      %and3A_656 = arith.constant 127 : i32
      %and3A_657 = vector.broadcast %and3A_656 : i32 to vector<16xi32>
      %and3A_658 = arith.andi %get3A_652, %and3A_657 : vector<16xi32>
      %lt3A_659 = arith.constant 40 : i32
      %lt3A_660 = vector.broadcast %lt3A_659 : i32 to vector<16xi32>
      %lt3A_661 = arith.cmpi slt, %shift_right_logical3A_655, %lt3A_660 : vector<16xi32>
      %not3A_662 = arith.constant dense<true> : vector<16xi1>
      %not3A_663 = arith.xori %lt3A_661, %not3A_662 : vector<16xi1>
      %and3A_664 = arith.andi %ge3A_604, %not3A_663 : vector<16xi1>
      %and3A_665 = arith.andi %ge3A_604, %lt3A_661 : vector<16xi1>
      tpu.vector_store_idx %arg9[%shift_right_logical3A_655, %and3A_658], %broadcast_in_dim3A_602 masked %and3A_665 {add = true} : memref<40x128xf32, #tpu.memory_space<vmem>>[vector<16xi32>, vector<16xi32>], vector<16xf32>, vector<16xi1>
      %sub3A_666 = arith.constant 40 : i32
      %sub3A_667 = vector.broadcast %sub3A_666 : i32 to vector<16xi32>
      %sub3A_668 = arith.subi %shift_right_logical3A_655, %sub3A_667 : vector<16xi32>
      tpu.vector_store_idx %arg10[%sub3A_668, %and3A_658], %broadcast_in_dim3A_602 masked %and3A_664 {add = true} : memref<40x128xf32, #tpu.memory_space<vmem>>[vector<16xi32>, vector<16xi32>], vector<16xf32>, vector<16xi1>
    }
    %scan3A_610 = arith.constant 250 : i32
    %run_scoped3A = arith.constant 0 : i32
    "tpu.region"() ({
      %run_scoped3A_621 = tpu.sem_alloc : memref<!tpu.dma_semaphore, #tpu.memory_space<semaphore_mem>>
      %dma_start3A_622 = arith.constant 0 : i32
      %dma_start3A_623 = arith.constant 0 : i32
      %dma_start3A_624 = tpu.memref_slice %arg6[%arg0, %arg1, %run_scoped3A, %dma_start3A_622, %dma_start3A_623] : memref<2x16x2x40x128xf32, #tpu.memory_space<hbm>> -> memref<1x1x1x40x128xf32, #tpu.memory_space<hbm>>
      %dma_start3A_625 = tpu.memref_squeeze %dma_start3A_624 : memref<1x1x1x40x128xf32, #tpu.memory_space<hbm>> -> memref<40x128xf32, #tpu.memory_space<hbm>>
      %dma_start3A_626 = arith.constant 0 : i32
      %dma_start3A_627 = arith.constant 0 : i32
      %dma_start3A_628 = tpu.memref_slice %arg6[%arg0, %arg1, %run_scoped3A, %dma_start3A_626, %dma_start3A_627] : memref<2x16x2x40x128xf32, #tpu.memory_space<hbm>> -> memref<1x1x1x40x128xf32, #tpu.memory_space<hbm>>
      %dma_start3A_629 = tpu.memref_squeeze %dma_start3A_628 : memref<1x1x1x40x128xf32, #tpu.memory_space<hbm>> -> memref<40x128xf32, #tpu.memory_space<hbm>>
      tpu.enqueue_dma source(%arg9 : memref<40x128xf32, #tpu.memory_space<vmem>>) target(%dma_start3A_629 : memref<40x128xf32, #tpu.memory_space<hbm>>) target_semaphore(%run_scoped3A_621 : memref<!tpu.dma_semaphore, #tpu.memory_space<semaphore_mem>>)
      %dma_wait3A_630 = arith.constant 0 : i32
      %dma_wait3A_631 = arith.constant 0 : i32
      %dma_wait3A_632 = tpu.memref_slice %arg6[%arg0, %arg1, %run_scoped3A, %dma_wait3A_630, %dma_wait3A_631] : memref<2x16x2x40x128xf32, #tpu.memory_space<hbm>> -> memref<1x1x1x40x128xf32, #tpu.memory_space<hbm>>
      %dma_wait3A_633 = tpu.memref_squeeze %dma_wait3A_632 : memref<1x1x1x40x128xf32, #tpu.memory_space<hbm>> -> memref<40x128xf32, #tpu.memory_space<hbm>>
      %dma_wait3A_634 = arith.constant 0 : i32
      %dma_wait3A_635 = arith.constant 0 : i32
      %dma_wait3A_636 = tpu.memref_slice %arg6[%arg0, %arg1, %run_scoped3A, %dma_wait3A_634, %dma_wait3A_635] : memref<2x16x2x40x128xf32, #tpu.memory_space<hbm>> -> memref<1x1x1x40x128xf32, #tpu.memory_space<hbm>>
      %dma_wait3A_637 = tpu.memref_squeeze %dma_wait3A_636 : memref<1x1x1x40x128xf32, #tpu.memory_space<hbm>> -> memref<40x128xf32, #tpu.memory_space<hbm>>
      tpu.wait_dma2 semaphore(%run_scoped3A_621 : memref<!tpu.dma_semaphore, #tpu.memory_space<semaphore_mem>>) src(%arg9 : memref<40x128xf32, #tpu.memory_space<vmem>>) dst(%dma_wait3A_637 : memref<40x128xf32, #tpu.memory_space<hbm>>)
      tpu.yield
    }) : () -> ()
    %run_scoped3A_611 = arith.constant 1 : i32
    "tpu.region"() ({
      %run_scoped3A_621 = tpu.sem_alloc : memref<!tpu.dma_semaphore, #tpu.memory_space<semaphore_mem>>
      %dma_start3A_622 = arith.constant 0 : i32
      %dma_start3A_623 = arith.constant 0 : i32
      %dma_start3A_624 = tpu.memref_slice %arg6[%arg0, %arg1, %run_scoped3A_611, %dma_start3A_622, %dma_start3A_623] : memref<2x16x2x40x128xf32, #tpu.memory_space<hbm>> -> memref<1x1x1x40x128xf32, #tpu.memory_space<hbm>>
      %dma_start3A_625 = tpu.memref_squeeze %dma_start3A_624 : memref<1x1x1x40x128xf32, #tpu.memory_space<hbm>> -> memref<40x128xf32, #tpu.memory_space<hbm>>
      %dma_start3A_626 = arith.constant 0 : i32
      %dma_start3A_627 = arith.constant 0 : i32
      %dma_start3A_628 = tpu.memref_slice %arg6[%arg0, %arg1, %run_scoped3A_611, %dma_start3A_626, %dma_start3A_627] : memref<2x16x2x40x128xf32, #tpu.memory_space<hbm>> -> memref<1x1x1x40x128xf32, #tpu.memory_space<hbm>>
      %dma_start3A_629 = tpu.memref_squeeze %dma_start3A_628 : memref<1x1x1x40x128xf32, #tpu.memory_space<hbm>> -> memref<40x128xf32, #tpu.memory_space<hbm>>
      tpu.enqueue_dma source(%arg10 : memref<40x128xf32, #tpu.memory_space<vmem>>) target(%dma_start3A_629 : memref<40x128xf32, #tpu.memory_space<hbm>>) target_semaphore(%run_scoped3A_621 : memref<!tpu.dma_semaphore, #tpu.memory_space<semaphore_mem>>)
      %dma_wait3A_630 = arith.constant 0 : i32
      %dma_wait3A_631 = arith.constant 0 : i32
      %dma_wait3A_632 = tpu.memref_slice %arg6[%arg0, %arg1, %run_scoped3A_611, %dma_wait3A_630, %dma_wait3A_631] : memref<2x16x2x40x128xf32, #tpu.memory_space<hbm>> -> memref<1x1x1x40x128xf32, #tpu.memory_space<hbm>>
      %dma_wait3A_633 = tpu.memref_squeeze %dma_wait3A_632 : memref<1x1x1x40x128xf32, #tpu.memory_space<hbm>> -> memref<40x128xf32, #tpu.memory_space<hbm>>
      %dma_wait3A_634 = arith.constant 0 : i32
      %dma_wait3A_635 = arith.constant 0 : i32
      %dma_wait3A_636 = tpu.memref_slice %arg6[%arg0, %arg1, %run_scoped3A_611, %dma_wait3A_634, %dma_wait3A_635] : memref<2x16x2x40x128xf32, #tpu.memory_space<hbm>> -> memref<1x1x1x40x128xf32, #tpu.memory_space<hbm>>
      %dma_wait3A_637 = tpu.memref_squeeze %dma_wait3A_636 : memref<1x1x1x40x128xf32, #tpu.memory_space<hbm>> -> memref<40x128xf32, #tpu.memory_space<hbm>>
      tpu.wait_dma2 semaphore(%run_scoped3A_621 : memref<!tpu.dma_semaphore, #tpu.memory_space<semaphore_mem>>) src(%arg10 : memref<40x128xf32, #tpu.memory_space<vmem>>) dst(%dma_wait3A_637 : memref<40x128xf32, #tpu.memory_space<hbm>>)
      tpu.yield
    }) : () -> ()
    %mul3A_612 = arith.constant 640 : i32
    %mul3A_613 = arith.muli %arg1, %mul3A_612 : i32
    %mul3A_614 = arith.constant 640 : i32
    %mul3A_615 = arith.muli %arg1, %mul3A_614 : i32
    %dma_wait3A_616 = arith.constant 0 : i32
    %dma_wait3A_617 = tpu.memref_slice %arg5[%arg0, %mul3A_615, %dma_wait3A_616] : memref<2x10240x128xf32, #tpu.memory_space<hbm>> -> memref<1x640x128xf32, #tpu.memory_space<hbm>>
    %dma_wait3A_618 = tpu.memref_squeeze %dma_wait3A_617 : memref<1x640x128xf32, #tpu.memory_space<hbm>> -> memref<640x128xf32, #tpu.memory_space<hbm>>
    %dma_wait3A_619 = arith.constant 0 : i32
    %dma_wait3A_620 = tpu.memref_slice %arg15[%mul3A_613, %dma_wait3A_619] : memref<10240x128xf32, #tpu.memory_space<vmem_shared>> -> memref<640x128xf32, #tpu.memory_space<vmem_shared>>
    tpu.wait_dma2 semaphore(%arg27 : memref<!tpu.dma_semaphore, #tpu.memory_space<semaphore_mem>>) src(%dma_wait3A_620 : memref<640x128xf32, #tpu.memory_space<vmem_shared>>) dst(%dma_wait3A_618 : memref<640x128xf32, #tpu.memory_space<hbm>>)
    return
  }
}

module attributes {stable_mosaic.version = 14 : i64} {
  func.func @_tc_body(%arg0: i32, %arg1: memref<2x1000x128xf32, #tpu.memory_space<vmem>>, %arg2: memref<1000x1xf32, #tpu.memory_space<vmem>>, %arg3: memref<1000x128xf32, #tpu.memory_space<vmem>>, %arg4: memref<128x256xf32, #tpu.memory_space<vmem>>, %arg5: memref<128x128xf32, #tpu.memory_space<vmem>>, %arg6: memref<1x128xf32, #tpu.memory_space<vmem>>, %arg7: memref<1000x128xf32, #tpu.memory_space<vmem>>) attributes {dimension_semantics = [#tpu.dimension_semantics<arbitrary>], iteration_bounds = array<i64: 10>, scalar_prefetch = 0 : i64, scratch_operands = 0 : i64, tpu.core_type = #tpu.core_type<tc>, window_params = [{transform_indices = @transform_0, window_bounds = array<i64: 2, 1000, 128>}, {transform_indices = @transform_1, window_bounds = array<i64: 1000, 1>}, {transform_indices = @transform_2, window_bounds = array<i64: 1000, 128>}, {pipeline_mode = #tpu.pipeline_mode<synchronous>, transform_indices = @transform_3, window_bounds = array<i64: 128, 256>}, {pipeline_mode = #tpu.pipeline_mode<synchronous>, transform_indices = @transform_4, window_bounds = array<i64: 128, 128>}, {pipeline_mode = #tpu.pipeline_mode<synchronous>, transform_indices = @transform_5, window_bounds = array<i64: 1, 128>}, {transform_indices = @transform_6, window_bounds = array<i64: 1000, 128>}]} {
    %get3A = arith.constant 0 : index
    %get3A_0 = arith.constant 0 : index
    %get3A_1 = arith.constant 0 : index
    %get3A_2 = vector.load %arg1[%get3A, %get3A_0, %get3A_1] : memref<2x1000x128xf32, #tpu.memory_space<vmem>>, vector<1x1000x128xf32>
    %get3A_3 = vector.shape_cast %get3A_2 : vector<1x1000x128xf32> to vector<1000x128xf32>
    %get3A_4 = arith.constant 1 : index
    %get3A_5 = arith.constant 0 : index
    %get3A_6 = arith.constant 0 : index
    %get3A_7 = vector.load %arg1[%get3A_4, %get3A_5, %get3A_6] : memref<2x1000x128xf32, #tpu.memory_space<vmem>>, vector<1x1000x128xf32>
    %get3A_8 = vector.shape_cast %get3A_7 : vector<1x1000x128xf32> to vector<1000x128xf32>
    %add3A = arith.addf %get3A_3, %get3A_8 : vector<1000x128xf32>
    %get3A_9 = arith.constant 0 : index
    %get3A_10 = arith.constant 0 : index
    %get3A_11 = vector.load %arg2[%get3A_9, %get3A_10] : memref<1000x1xf32, #tpu.memory_space<vmem>>, vector<1000x1xf32>
    %max3A = arith.constant 1.000000e+00 : f32
    %max3A_12 = vector.broadcast %max3A : f32 to vector<1000x1xf32>
    %max3A_13 = arith.maximumf %get3A_11, %max3A_12 : vector<1000x1xf32>
    %div3A = arith.constant 1.000000e+00 : f32
    %div3A_14 = vector.broadcast %div3A : f32 to vector<1000x1xf32>
    %div3A_15 = arith.divf %div3A_14, %max3A_13 : vector<1000x1xf32>
    %gt3A = arith.constant 0.000000e+00 : f32
    %gt3A_16 = vector.broadcast %gt3A : f32 to vector<1000x1xf32>
    %gt3A_17 = arith.cmpf ogt, %get3A_11, %gt3A_16 : vector<1000x1xf32>
    %convert_element_type3A = arith.extui %gt3A_17 : vector<1000x1xi1> to vector<1000x1xi32>
    %convert_element_type3A_18 = arith.sitofp %convert_element_type3A : vector<1000x1xi32> to vector<1000x1xf32>
    %get3A_19 = arith.constant 0 : index
    %get3A_20 = arith.constant 0 : index
    %get3A_21 = vector.load %arg5[%get3A_19, %get3A_20] : memref<128x128xf32, #tpu.memory_space<vmem>>, vector<128x128xf32>
    %get3A_22 = arith.constant 0 : index
    %get3A_23 = arith.constant 0 : index
    %get3A_24 = vector.load %arg4[%get3A_22, %get3A_23] : memref<128x256xf32, #tpu.memory_space<vmem>>, vector<128x256xf32>
    %dot_general3A = arith.constant dense<0.000000e+00> : vector<128x256xf32>
    %dot_general3A_25 = tpu.matmul %get3A_21, %get3A_24, %dot_general3A {dimension_numbers = #tpu.dot_dimension_numbers<[1], [0], [0], [1], [0, 0, 1, 1], [], []>, transpose_lhs_hint = false} : vector<128x128xf32>, vector<128x256xf32>, vector<128x256xf32> -> vector<128x256xf32>
    %mul3A = vector.broadcast %div3A_15 : vector<1000x1xf32> to vector<1000x128xf32>
    %mul3A_26 = arith.mulf %add3A, %mul3A : vector<1000x128xf32>
    %slice3A = vector.extract_strided_slice %dot_general3A_25 {offsets = [0, 0], sizes = [128, 128], strides = [1, 1]} : vector<128x256xf32> to vector<128x128xf32>
    %dot_general3A_27 = arith.constant dense<0.000000e+00> : vector<1000x128xf32>
    %dot_general3A_28 = tpu.matmul %mul3A_26, %slice3A, %dot_general3A_27 {dimension_numbers = #tpu.dot_dimension_numbers<[1], [1], [0], [0], [0, 0, 1, 0], [], []>, transpose_lhs_hint = false} : vector<1000x128xf32>, vector<128x128xf32>, vector<1000x128xf32> -> vector<1000x128xf32>
    %get3A_29 = arith.constant 0 : index
    %get3A_30 = arith.constant 0 : index
    %get3A_31 = vector.load %arg3[%get3A_29, %get3A_30] : memref<1000x128xf32, #tpu.memory_space<vmem>>, vector<1000x128xf32>
    %mul3A_32 = vector.broadcast %convert_element_type3A_18 : vector<1000x1xf32> to vector<1000x128xf32>
    %mul3A_33 = arith.mulf %get3A_31, %mul3A_32 : vector<1000x128xf32>
    %slice3A_34 = vector.extract_strided_slice %dot_general3A_25 {offsets = [0, 128], sizes = [128, 128], strides = [1, 1]} : vector<128x256xf32> to vector<128x128xf32>
    %dot_general3A_35 = arith.constant dense<0.000000e+00> : vector<1000x128xf32>
    %dot_general3A_36 = tpu.matmul %mul3A_33, %slice3A_34, %dot_general3A_35 {dimension_numbers = #tpu.dot_dimension_numbers<[1], [1], [0], [0], [0, 0, 1, 0], [], []>, transpose_lhs_hint = false} : vector<1000x128xf32>, vector<128x128xf32>, vector<1000x128xf32> -> vector<1000x128xf32>
    %add3A_37 = arith.addf %dot_general3A_28, %dot_general3A_36 : vector<1000x128xf32>
    %get3A_38 = arith.constant 0 : index
    %get3A_39 = arith.constant 0 : index
    %get3A_40 = vector.load %arg6[%get3A_38, %get3A_39] : memref<1x128xf32, #tpu.memory_space<vmem>>, vector<1x128xf32>
    %add3A_41 = vector.broadcast %get3A_40 : vector<1x128xf32> to vector<1000x128xf32>
    %add3A_42 = arith.addf %add3A_37, %add3A_41 : vector<1000x128xf32>
    %swap3A = arith.constant 0 : index
    %swap3A_43 = arith.constant 0 : index
    %swap3A_44 = vector.load %arg7[%swap3A, %swap3A_43] : memref<1000x128xf32, #tpu.memory_space<vmem>>, vector<1000x128xf32>
    tpu.vector_store %arg7[%swap3A, %swap3A_43], %add3A_42 {strides = array<i32>} : memref<1000x128xf32, #tpu.memory_space<vmem>>, vector<1000x128xf32>,
    return
  }
  func.func @transform_0(%arg0: i32) -> (i32, i32, i32) {
    %c0_i32 = arith.constant 0 : i32
    %c0_i32_0 = arith.constant 0 : i32
    %c0_i32_1 = arith.constant 0 : i32
    return %c0_i32, %arg0, %c0_i32_0 : i32, i32, i32
  }
  func.func @transform_1(%arg0: i32) -> (i32, i32) {
    %c0_i32 = arith.constant 0 : i32
    %c0_i32_0 = arith.constant 0 : i32
    return %arg0, %c0_i32 : i32, i32
  }
  func.func @transform_2(%arg0: i32) -> (i32, i32) {
    %c0_i32 = arith.constant 0 : i32
    %c0_i32_0 = arith.constant 0 : i32
    return %arg0, %c0_i32 : i32, i32
  }
  func.func @transform_3(%arg0: i32) -> (i32, i32) {
    %c0_i32 = arith.constant 0 : i32
    %c0_i32_0 = arith.constant 0 : i32
    %c0_i32_1 = arith.constant 0 : i32
    return %c0_i32, %c0_i32_0 : i32, i32
  }
  func.func @transform_4(%arg0: i32) -> (i32, i32) {
    %c0_i32 = arith.constant 0 : i32
    %c0_i32_0 = arith.constant 0 : i32
    %c0_i32_1 = arith.constant 0 : i32
    return %c0_i32, %c0_i32_0 : i32, i32
  }
  func.func @transform_5(%arg0: i32) -> (i32, i32) {
    %c0_i32 = arith.constant 0 : i32
    %c0_i32_0 = arith.constant 0 : i32
    %c0_i32_1 = arith.constant 0 : i32
    return %c0_i32, %c0_i32_0 : i32, i32
  }
  func.func @transform_6(%arg0: i32) -> (i32, i32) {
    %c0_i32 = arith.constant 0 : i32
    %c0_i32_0 = arith.constant 0 : i32
    return %arg0, %c0_i32 : i32, i32
  }
}

module attributes {stable_mosaic.version = 14 : i64} {
  func.func @_cnt_body(%arg0: i32, %arg1: memref<32x1024xf32, #tpu.memory_space<vmem>>, %arg2: memref<1024x1xf32, #tpu.memory_space<vmem>>) attributes {dimension_semantics = [#tpu.dimension_semantics<arbitrary>], iteration_bounds = array<i64: 10>, scalar_prefetch = 0 : i64, scratch_operands = 0 : i64, tpu.core_type = #tpu.core_type<tc>, window_params = [{transform_indices = @transform_0, window_bounds = array<i64: 32, 1024>}, {transform_indices = @transform_1, window_bounds = array<i64: 1024, 1>}]} {
    %get3A = arith.constant 0 : index
    %get3A_0 = arith.constant 0 : index
    %get3A_1 = vector.load %arg1[%get3A, %get3A_0] : memref<32x1024xf32, #tpu.memory_space<vmem>>, vector<32x1024xf32>
    %reduce_sum3A = arith.constant dense<0.000000e+00> : vector<1024xf32>
    %reduce_sum3A_2 = vector.multi_reduction <add>, %get3A_1, %reduce_sum3A [0] : vector<32x1024xf32> to vector<1024xf32>
    %broadcast_in_dim3A = vector.shape_cast %reduce_sum3A_2 : vector<1024xf32> to vector<1024x1xf32>
    %swap3A = arith.constant 0 : index
    %swap3A_3 = arith.constant 0 : index
    %swap3A_4 = vector.load %arg2[%swap3A, %swap3A_3] : memref<1024x1xf32, #tpu.memory_space<vmem>>, vector<1024x1xf32>
    tpu.vector_store %arg2[%swap3A, %swap3A_3], %broadcast_in_dim3A {strides = array<i32>} : memref<1024x1xf32, #tpu.memory_space<vmem>>, vector<1024x1xf32>,
    return
  }
  func.func @transform_0(%arg0: i32) -> (i32, i32) {
    %c0_i32 = arith.constant 0 : i32
    %c0_i32_0 = arith.constant 0 : i32
    return %c0_i32, %arg0 : i32, i32
  }
  func.func @transform_1(%arg0: i32) -> (i32, i32) {
    %c0_i32 = arith.constant 0 : i32
    %c0_i32_0 = arith.constant 0 : i32
    return %arg0, %c0_i32 : i32, i32
  }
}

</mosaic_0001>

<sc_bundles>
// kernel: kernel.5.cloned.1.call-start
scs
__scs_entry_jumppad:
0x0: {  	(pc) =	sbr.rel $0x88, $3  }
0x1: {  	(tag) =	ssettag $0x0;
	lr =	simm.s32 $0x1  }
0x2: {  	[smem:$0x3F9C] =	sst lr;
	_ =	strace $0xD0000000  }
0x3: {  	_ = 	snop  }
0x4: {  	_ = 	snop  }
0x5: {  	_ = 	snop  }
0x6: {  	_ = 	snop  }
0x7: {  	_ = 	snop  }
__scs_overlays_trampoline_lowered:
0x8: {  	[smem:$0x3FAB] =	sst s0  }
0x9: {  	[smem:$0x3FAC] =	sst s1  }
0xa: {  	[smem:$0x3FAD] =	sst s2  }
0xb: {  	[smem:$0x3FAE] =	sst s3  }
0xc: {  	[smem:$0x3FAF] =	sst s4  }
0xd: {  	[smem:$0x3FB0] =	sst s5  }
0xe: {  	[smem:$0x3FB1] =	sst s6  }
0xf: {  	[smem:$0x3FB2] =	sst s7  }
0x10: {  	[smem:$0x3FB3] =	sst s8  }
0x11: {  	[smem:$0x3FB4] =	sst s9;
	s0 =	simm.s32 @!p0 $0x0  }
0x12: {  	s1 =	sld [smem:$0x3F9A];
	s0 =	simm.s32 @p0 $0x1  }
0x13: {  	[smem:$0x3FB5] =	sst s0;
	s0 =	simm.s32 @!p1 $0x0  }
0x14: {  	s2 =	sld [smem:$0x3F99];
	s0 =	simm.s32 @p1 $0x1  }
0x15: {  	[smem:$0x3FB6] =	sst s0;
	s0 =	simm.s32 @!p2 $0x0  }
0x16: {  	s3 =	sld [smem:$0x3FDB];
	s0 =	simm.s32 @p2 $0x1  }
0x17: {  	s4 =	simm.s32 $0x1BF5;
	[smem:$0x3FB8] =	sst s0  }
0x18: {  	s0 =	sld [smem:$0x3F9B];
	_ =	swait.ge [sflag:s4], $0x0  }
0x19: {  	s7 =	sld [smem:$0x3F9C]  }
0x1a: {  	s8 =	sadd.s32 $0xFFFFE003, lr  }
0x1b: {  	s9 =	sadd.s32 $0xFFFFFEF7, lr;
	s5 =	simm.s32 $0xFFFFFFFF;
	p2 =	slt.u32 s8, $0xFFFFF086  }
0x1c: {  	p1 =	slt.u32 s9, $0xF7A;
	s5 =	simm.s32 @!p2 $0x0  }
0x1d: {  	s5 =	simm.s32 @p1 $0x1;
	p0 =	seq.s32 s7, s2  }
0x1e: {  	s7 =	smul.u32 @!p0 $0xF7A, s2;
	p2 =	seq.s32 @!p0 s5, $0x0  }
0x1f: {  	s9 =	smul.u32 $0xF7A, s1;
	s8 =	simm.s32 @!p0 $0x1BF5;
	p2 =	por !p2, p0  }
0x20: {  	[sflag:s8] =	ssyncset.s32 @!p0 $0xFFFFF086;
	s6 =	sadd.s32 @!p0 s3, s7;
	s7 =	simm.s32 @!p0 $0x108  }
0x21: {  	s3 =	sadd.s32 s3, s9;
	s6 =	sadd.s32 @!p0 $0x88, s6;
	s7 =	simm.s32 @p2 $0x1082  }
0x22: {  	[simem:s7], [sflag:s8] =	dma.local @!p0 [hbm:s6], $0xF7A  }
0x23: {  	s9 =	sor.u32 $0xD0000000, s2;
	s6 =	simm.s32 $0x108;
	_ =	swait.ge @!p0 [sflag:s8], $0x0  }
0x24: {  	s3 =	sadd.s32 $0x88, s3;
	s6 =	simm.s32 @!p1 $0x1082;
	[sflag:s4] =	ssyncset.s32 $0xFFFFF086  }
0x25: {  	[simem:s6], [sflag:s4] =	dma.local [hbm:s3], $0xF7A  }
0x26: {  	[smem:$0x3F9C] =	sst s1;
	(tag) =	ssettag s2;
	_ =	strace s9  }
0x27: {  	s1 =	sld [smem:$0x3FAC]  }
0x28: {  	s2 =	sld [smem:$0x3FAD]  }
0x29: {  	s4 =	sld [smem:$0x3FAF]  }
0x2a: {  	p0 =	seq.s32 s5, $0x0;
	s5 =	sld [smem:$0x3FB0]  }
0x2b: {  	s6 =	sld [smem:$0x3FB1]  }
0x2c: {  	s7 =	sld [smem:$0x3FB2]  }
0x2d: {  	s3 =	simm.s32 $0x108;
	s8 =	sld [smem:$0x3FB3]  }
0x2e: {  	s3 =	simm.s32 @!p0 $0x1082;
	s9 =	sld [smem:$0x3FB4]  }
0x2f: {  	lr =	sadd.s32 s0, s3;
	s0 =	sld [smem:$0x3FAB]  }
0x30: {  	s3 =	sld [smem:$0x3FAE]  }
0x31: {  	[smem:$0x3FB7] =	sst s10  }
0x32: {  	s10 =	sld [smem:$0x3FB5];
	_ =	sdelay $0x3  }
0x33: {  	p0 =	seq.s32 s10, $0x1;
	s10 =	sld [smem:$0x3FB7];
	_ =	sdelay $0x3  }
0x34: {  	[smem:$0x3FB7] =	sst s10  }
0x35: {  	s10 =	sld [smem:$0x3FB6];
	_ =	sdelay $0x3  }
0x36: {  	p1 =	seq.s32 s10, $0x1;
	s10 =	sld [smem:$0x3FB7];
	_ =	sdelay $0x3  }
0x37: {  	[smem:$0x3FB7] =	sst s10  }
0x38: {  	s10 =	sld [smem:$0x3FB8]  }
0x39: {  	_ = 	snop;
	(pc) =	sbr.ind lr, $3  }
0x3a: {  	_ = 	snop  }
0x3b: {  	_ = 	snop  }
0x3c: {  	p2 =	seq.s32 s10, $0x1;
	s10 =	sld [smem:$0x3FB7]  }
0x3d: {  	_ =	shalt  }
0x3e: {  	_ =	shalt  }
0x3f: {  	_ =	shalt  }
0x40: {  	_ =	shalt  }
0x41: {  	_ =	shalt  }
0x42: {  	_ =	shalt  }
0x43: {  	_ =	shalt  }
0x44: {  	_ =	shalt  }
0x45: {  	_ =	shalt  }
0x46: {  	_ =	shalt  }
0x47: {  	_ =	shalt  }
0x48: {  	_ =	shalt  }
0x49: {  	_ =	shalt  }
0x4a: {  	_ =	shalt  }
0x4b: {  	_ =	shalt  }
0x4c: {  	_ =	shalt  }
0x4d: {  	_ =	shalt  }
0x4e: {  	_ =	shalt  }
0x4f: {  	_ =	shalt  }
0x50: {  	_ =	shalt  }
0x51: {  	_ =	shalt  }
0x52: {  	_ =	shalt  }
0x53: {  	_ =	shalt  }
0x54: {  	_ =	shalt  }
0x55: {  	_ =	shalt  }
0x56: {  	_ =	shalt  }
0x57: {  	_ =	shalt  }
0x58: {  	_ =	shalt  }
0x59: {  	_ =	shalt  }
0x5a: {  	_ =	shalt  }
0x5b: {  	_ =	shalt  }
0x5c: {  	_ =	shalt  }
0x5d: {  	_ =	shalt  }
0x5e: {  	_ =	shalt  }
0x5f: {  	_ =	shalt  }
0x60: {  	_ =	shalt  }
0x61: {  	_ =	shalt  }
0x62: {  	_ =	shalt  }
0x63: {  	_ =	shalt  }
0x64: {  	_ =	shalt  }
0x65: {  	_ =	shalt  }
0x66: {  	_ =	shalt  }
0x67: {  	_ =	shalt  }
0x68: {  	_ =	shalt  }
0x69: {  	_ =	shalt  }
0x6a: {  	_ =	shalt  }
0x6b: {  	_ =	shalt  }
0x6c: {  	_ =	shalt  }
0x6d: {  	_ =	shalt  }
0x6e: {  	_ =	shalt  }
0x6f: {  	_ =	shalt  }
0x70: {  	_ =	shalt  }
0x71: {  	_ =	shalt  }
0x72: {  	_ =	shalt  }
0x73: {  	_ =	shalt  }
0x74: {  	_ =	shalt  }
0x75: {  	_ =	shalt  }
0x76: {  	_ =	shalt  }
0x77: {  	_ =	shalt  }
0x78: {  	_ =	shalt  }
0x79: {  	_ =	shalt  }
0x7a: {  	_ =	shalt  }
0x7b: {  	_ =	shalt  }
0x7c: {  	_ =	shalt  }
0x7d: {  	_ =	shalt  }
0x7e: {  	_ =	shalt  }
0x7f: {  	_ =	shalt  }
0x80: {  	_ =	shalt  }
0x81: {  	_ =	shalt  }
0x82: {  	_ =	shalt  }
0x83: {  	_ =	shalt  }
0x84: {  	_ =	shalt  }
0x85: {  	_ =	shalt  }
0x86: {  	_ =	shalt  }
0x87: {  	_ =	shalt  }
.Lfunc_end0:
.L_simem_size_0:
called_computation_lowered:
.L_overlay_start_0:
0x88: {  	s2 =	sld [smem:$0x3FD9]  }
0x89: {  	s3 =	sld [smem:$0x3FFE];
	_ =	sdelay $0x1  }
0x8a: {  	s1 =	srdreg.scid  }
0x8b: {  	s0 =	sand.u32 $0x1, s1  }
0x8c: {  	s17 =	sshll.u32 s0, $0xA;
	s2 =	sadd.s32 s3, s2  }
0x8d: {  	s2 =	sadd.s32 s2, s17  }
0x8e: {  	[smem:$0x3FC3] =	sst s2  }
0x8f: {  	_ = 	snop  }
0x90: {  	s2 =	sld [smem:$0x3FC9]  }
0x91: {  	s18 =	sld [smem:$0x3FD0];
	(tm) =	ssettm $0x1  }
0x92: {  	s4 =	sld [smem:$0x3FFB];
	_ =	sdelay $0x3  }
0x93: {  	_ =	strace s4  }
0x94: {  	s4 =	sld [smem:$0x3FFC];
	_ =	sdelay $0x3  }
0x95: {  	_ =	strace s4  }
0x96: {  	s4 =	sld [smem:$0x3FFD];
	_ =	sdelay $0x3  }
0x97: {  	_ =	strace s4  }
0x98: {  	_ =	strace $0x8FFFFFFF  }
0x99: {  	s19 =	sld [smem:$0x3FDB];
	_ =	sdelay $0x1  }
0x9a: {  	s5 =	simm.s32 $_scs_section_size  }
0x9b: {  	s6 =	simm.s32 $_size__tile_overlayer_lowered;
	s7 =	simm.s32 $_tile_overlayer_lowered  }
0x9c: {  	s22 =	simm.s32 $0x1BFF;
	s21 =	sshll.u32 s7, $0x1;
	s4 =	sadd.s32 s5, s19  }
0x9d: {  	s8 =	simm.s32 $0x0;
	s20 =	sshll.u32 s6, $0x1;
	s6 =	sadd.s32 s21, s4  }
0x9e: {  	[timem:s8], [sflag:s22] =	dma.local [hbm:s6], s20  }
0x9f: {  	_ =	swait.ge [sflag:s22], s20  }
0xa0: {  	s5 =	ssub.s32 $0x0, s20;
	[sflag:s22] =	ssyncset.done $0x0  }
0xa1: {  	[sflag:s22] =	ssyncadd.s32 s5;
	_ =	sdelay $0x1  }
0xa2: {  	s23 =	simm.s32 $0x1B8B  }
0xa3: {  	_ =	swait.ge [sflag:s23], $0x1  }
0xa4: {  	[sflag:s23] =	ssyncset.done $0x0  }
0xa5: {  	s25 =	simm.s32 $0x1B8E;
	s24 =	sld [smem:$0x3FFE];
	[sflag:s23] =	ssyncadd.s32 $0xFFFFFFFF  }
0xa6: {  	s26 =	simm.s32 $execute0_lowered;
	[smem:$0x3FD2] =	sst s25  }
0xa7: {  	s6 =	sshll.u32 s26, $0x1;
	_ =	strace $0x80000046;
	[dreg:$0x1] =	wrdreg $0xFFFFFFFF  }
0xa8: {  	s28 =	simm.s32 $_size_execute0_lowered;
	s4 =	sadd.s32 s4, s6;
	[dreg:$0x0] =	wrdreg $0x0  }
0xa9: {  	s6 =	sshll.u32 s28, $0x1;
	[dreg:$0x2] =	wrdreg s4  }
0xaa: {  	[dreg:$0x3] =	wrdreg s6  }
0xab: {  	[dreg:$0x4] =	wrdreg $0xC0  }
0xac: {  	_ =	task [dreg:s8], $0x5FFFF  }
0xad: {  	[dreg:$0x1] =	wrdreg $0xFFFFFFFF  }
0xae: {  	[dreg:$0x0] =	wrdreg $0x60  }
0xaf: {  	[dreg:$0x2] =	wrdreg s2  }
0xb0: {  	[dreg:$0x3] =	wrdreg s24  }
0xb1: {  	[dreg:$0x4] =	wrdreg s18  }
0xb2: {  	[dreg:$0x5] =	wrdreg $0xA0000  }
0xb3: {  	[dreg:$0x6] =	wrdreg $0x9  }
0xb4: {  	_ =	task.clear_ibuf [dreg:s8], $0x7FFFF;
	_ =	strace $0x90000046  }
0xb5: {  	s29 =	simm.s32 $0x9;
	_ =	strace $0x80000048  }
0xb6: {  	_ =	swait.ge [sflag:s29], $0x1  }
0xb7: {  	[sflag:s29] =	ssyncadd.s32 $0xFFFFFFFF  }
0xb8: {  	_ =	strace $0x90000048  }
0xb9: {  	_ =	sfence  }
0xba: {  	s30 =	sld [smem:$0x0];
	_ =	sdelay $0x2  }
0xbb: {  	s31 =	sshll.u32 s1, $0xD;
	s1 =	sshrl.u32 s1, $0x2  }
0xbc: {  	s3 =	sand.u32 $0x4000, s31;
	s1 =	sadd.s32 s1, s30  }
0xbd: {  	s0 =	sor.u32 s3, s0;
	s1 =	sshll.u32 s1, $0x11  }
0xbe: {  	s0 =	sor.u32 s1, s0  }
0xbf: {  	s0 =	sadd.s32 $0x8F2B, s0  }
0xc0: {  	[sflag:s0] =	ssyncadd.remote.s32 $0x1  }
0xc1: {  	_ =	sfence.sel $0xFFFF  }
0xc2: {  	[dreg:$0x0] =	wrdreg $0xFFFFFFFF;
	(pc) =	sbr.abs _section_cstart, $3  }
0xc3: {  	[dreg:$0x1] =	wrdreg $0xFFFFFFFF  }
0xc4: {  	_ =	task.clear_ibuf [dreg:s8], $0x2FFFF;
	_ =	strace $0x9FFFFFFF  }
0xc5: {  	(tm) =	ssettm $0x7FFFFFFF  }
tec
execute0_lowered:
.L_overlay_start_1:
0x0: {  	(tag) =	ssettag $0x1  }
0x1: {  	s14 =	stileid.u32  }
0x2: {  	s7 =	smul.u32 $0x14000, s14  }
0x3: {  	s0 =	srdreg.scid;
	s22 =	smul.u32 $0x50000, s14  }
0x4: {  	s1 =	rddreg [dreg:$0x0];
	s28 =	smul.u32 $0x2800, s14  }
0x5: {  	s2 =	rddreg [dreg:$0x1];
	s0 =	sand.u32 $0x1, s0;
	s18 =	smul.u32 $0x2710, s14  }
0x6: {  	s5 =	rddreg [dreg:$0x2];
	s29 =	simm.s32 $0xD;
	s8 =	smul.u32 $0x140000, s0  }
0x7: {  	s9 =	sadd.s32 $0xAE00, s2;
	s3 =	sshll.u32 s0, $0x4;
	s26 =	smul.u32 $0x28000, s0  }
0x8: {  	s11 =	ssub.s32 $0x2, s0;
	s0 =	smul.u32 $0x27100, s0;
	s4 =	sor.u32 s14, s3  }
0x9: {  	s3 =	rddreg [dreg:$0x3];
	s13 =	sshrl.u32 s11, $0x1;
	s25 =	sshrl.u32 s22, $0x2  }
0xa: {  	s6 =	smul.u32 $0x2710, s4;
	s4 =	simm.s32 $0x0;
	s8 =	sadd.s32 s7, s8  }
0xb: {  	s17 =	sadd.s32 s7, s3;
	s0 =	sadd.s32 s18, s0;
	[smem:$0x7FF] =	sst s4  }
0xc: {  	s8 =	sshrl.u32 s8, $0x3;
	s22 =	sadd.s32 $0x1E0, s0;
	_ =	strace $0x80000047  }
0xd: {  	s10 =	sshrl.u32 s6, $0x3;
	s20 =	sadd.s32 $0x28, s6;
	s21 =	sadd.s32 $0x78, s6  }
0xe: {  	s24 =	sadd.s32 $0xC8, s6;
	s6 =	sadd.s32 $0x118, s6;
	[dreg:$0xa] =	wrdreg s17  }
0xf: {  	s12 =	sadd.s32 s10, s2;
	s2 =	sadd.s32 s8, s2;
	s8 =	ssub.s32 s11, s13  }
0x10: {  	s13 =	sadd.s32 s9, s10;
	s10 =	sshrl.u32 s20, $0x3;
	s11 =	sshrl.u32 s21, $0x3  }
0x11: {  	s6 =	sshrl.u32 s6, $0x3;
	s19 =	sadd.s32 $0x1000, s12;
	[dreg:$0x6] =	wrdreg s13  }
0x12: {  	s21 =	sadd.s32 $0x208, s0;
	s10 =	sadd.s32 s9, s10;
	[dreg:$0x5] =	wrdreg s19  }
0x13: {  	s23 =	sadd.s32 s9, s11;
	s11 =	sadd.s32 s28, s26;
	[dreg:$0x7] =	wrdreg s10  }
0x14: {  	s6 =	sadd.s32 s9, s6;
	[dreg:$0x8] =	wrdreg s23;
	s10 =	sshrl.u32 s24, $0x3  }
0x15: {  	[dreg:$0xe] =	wrdreg s6;
	s6 =	sshrl.u32 s22, $0x3;
	s22 =	sadd.s32 $0x14C00, s2  }
0x16: {  	s26 =	sadd.s32 $0x168, s0;
	s10 =	sadd.s32 s9, s10;
	[smem:$0x7F8] =	sst s22  }
0x17: {  	s20 =	sshrl.u32 s11, $0x3;
	s23 =	sadd.s32 s6, s9;
	[dreg:$0x9] =	wrdreg s10  }
0x18: {  	s6 =	sshrl.u32 s26, $0x3;
	s26 =	sadd.s32 $0x1E, s13;
	[dreg:$0x11] =	wrdreg s23  }
0x19: {  	s11 =	sadd.s32 s5, s20;
	s5 =	sshrl.u32 s21, $0x3;
	[smem:$0x7FC] =	sst s26  }
0x1a: {  	s30 =	simm.s32 $0xE;
	s5 =	sadd.s32 s5, s9;
	[dreg:$0xf] =	wrdreg s11  }
0x1b: {  	s31 =	simm.s32 $0xF;
	s28 =	sadd.s32 s6, s9;
	[dreg:$0x10] =	wrdreg s5  }
0x1c: {  	s10 =	sadd.s32 s25, s3;
	s23 =	smax.u32 s8, $0x1;
	[dreg:$0x14] =	wrdreg s28  }
0x1d: {  	s7 =	sadd.s32 $0x1B8, s0;
	s15 =	sadd.s32 $0x1400, s10;
	[smem:$0x7F9] =	sst s23  }
0x1e: {  	s24 =	sshrl.u32 s7, $0x3;
	s16 =	sadd.s32 $0x2800, s10;
	[dreg:$0xb] =	wrdreg s15  }
0x1f: {  	s2 =	simm.s32 $0x10;
	s19 =	sadd.s32 $0x3C00, s10;
	[dreg:$0xc] =	wrdreg s16  }
0x20: {  	s25 =	sadd.s32 $0x190, s0;
	s5 =	sadd.s32 s24, s9;
	[dreg:$0xd] =	wrdreg s19  }
0x21: {  	s0 =	sadd.s32 $0x140, s0;
	s6 =	sadd.s32 $0x6400, s10;
	[dreg:$0x12] =	wrdreg s5  }
0x22: {  	s8 =	simm.s32 $0x6400;
	s7 =	sadd.s32 $0x7800, s10;
	[dreg:$0x17] =	wrdreg s6  }
0x23: {  	s0 =	sshrl.u32 s0, $0x3;
	s12 =	sadd.s32 $0xA000, s10;
	[dreg:$0x18] =	wrdreg s7  }
0x24: {  	s14 =	sadd.s32 $0xB400, s10;
	s18 =	sadd.s32 $0xF000, s10;
	[dreg:$0x1a] =	wrdreg s12  }
0x25: {  	s20 =	sadd.s32 $0x11800, s10;
	s21 =	sadd.s32 $0x12C00, s10;
	[dreg:$0x1b] =	wrdreg s14  }
0x26: {  	s24 =	sadd.s32 $0xA, s13;
	s28 =	sadd.s32 $0x280, s11;
	[dreg:$0x1e] =	wrdreg s18  }
0x27: {  	s11 =	simm.s32 $0x0;
	s5 =	sshrl.u32 s25, $0x3;
	[smem:$0x7F6] =	sst s20  }
0x28: {  	s0 =	sadd.s32 s0, s9;
	s15 =	sadd.s32 $0xC800, s10;
	[smem:$0x7F7] =	sst s21  }
0x29: {  	s16 =	sadd.s32 $0xDC00, s10;
	s19 =	sadd.s32 $0x10400, s10;
	[smem:$0x7FA] =	sst s24  }
0x2a: {  	s25 =	sadd.s32 $0x14, s13;
	[smem:$0x7FD] =	sst s28;
	s18 =	simm.s32 $0xF0  }
0x2b: {  	s24 =	simm.s32 $0x50;
	s20 =	simm.s32 $0x3C00;
	[dreg:$0x15] =	wrdreg s0  }
0x2c: {  	s14 =	simm.s32 $0x7;
	s12 =	simm.s32 $0x8C00;
	[dreg:$0x1c] =	wrdreg s15  }
0x2d: {  	s21 =	simm.s32 $0x78;
	s13 =	simm.s32 $0x7800;
	[dreg:$0x1d] =	wrdreg s16  }
0x2e: {  	s5 =	sadd.s32 s5, s9;
	s9 =	sadd.s32 $0x8C00, s10;
	[dreg:$0x1f] =	wrdreg s19  }
0x2f: {  	[smem:$0x7FB] =	sst s25;
	s16 =	simm.s32 $0x28;
	s19 =	simm.s32 $0x2800  }
0x30: {  	s0 =	simm.s32 $0x11;
	s15 =	simm.s32 $0x8C00;
	[dreg:$0x13] =	wrdreg s5  }
0x31: {  	s5 =	sadd.s32 $0x5000, s10;
	[dreg:$0x19] =	wrdreg s9;
	s9 =	simm.s32 $0x78  }
0x32: {  	v0 =	vimm.f32 $0.0e+00;
	v1 =	vimm.f32 $1.000000000e+00;
	vm0 =	vcmask $0x3F20;
	s10 =	simm.s32 $0x5000;
	[dreg:$0x16] =	wrdreg s5;
	s5 =	simm.s32 $0x12  }
.LBB2_1:
0x33: {  	[smem:$0x7F5] =	sst s11  }
0x34: {  	s6 =	rddreg [dreg:$0x5]  }
0x35: {  	s7 =	rddreg [dreg:$0x6]  }
0x36: {  	[tilespmem:s18], [sflag:$0x7] =	stream.linear.gather [hbm4b:s6+s4], $0x2710, $0x38;
	[tilespmem:$0x1E000] =	vst v63  }
0x37: {  	s11 =	rddreg [dreg:$0x7]  }
0x38: {  	[tilespmem:s4], [sflag:$0x1] =	stream.linear.gather [hbm4b:s7+s4], $0x28, $0x38;
	[tilespmem:$0x1E000] =	vst v63  }
0x39: {  	s22 =	sld [smem:$0x7FA]  }
0x3a: {  	[tilespmem:s16], [sflag:$0x2] =	stream.linear.gather [hbm4b:s11+s4], $0x28, $0x38;
	[tilespmem:$0x1E000] =	vst v63  }
0x3b: {  	s23 =	rddreg [dreg:$0x8]  }
0x3c: {  	[tilespmem:s24], [sflag:$0x3] =	stream.linear.gather [hbm4b:s22+s4], $0x28, $0x38;
	[tilespmem:$0x1E000] =	vst v63  }
0x3d: {  	s25 =	sld [smem:$0x7FB]  }
0x3e: {  	[tilespmem:s9], [sflag:$0x4] =	stream.linear.gather [hbm4b:s23+s4], $0x28, $0x38;
	[tilespmem:$0x1E000] =	vst v63  }
0x3f: {  	s26 =	rddreg [dreg:$0x9];
	s7 =	simm.s32 $0xA0  }
0x40: {  	[tilespmem:s7], [sflag:$0x5] =	stream.linear.gather [hbm4b:s25+s4], $0x28, $0x38;
	[tilespmem:$0x1E000] =	vst v63  }
0x41: {  	s28 =	simm.s32 $0xC8;
	s6 =	simm.s32 $0x0;
	s11 =	simm.s32 $0x200  }
0x42: {  	[tilespmem:s28], [sflag:$0x6] =	stream.linear.gather [hbm4b:s26+s4], $0x28, $0x38;
	[tilespmem:$0x1E000] =	vst v63  }
.LBB2_2:
0x43: {  	p0 =	sne.s32 s11, $0x4E00;
	[tilespmem:s6+$0x7870] =	vst v0  }
0x44: {  	[tilespmem:s6+$0x7800] =	vst v0  }
0x45: {  	[tilespmem:s6+$0x7810] =	vst v0  }
.Ltmp0:
0x46: {  	[tilespmem:s6+$0x7820] =	vst v0;
	(pc) =	sbr.rel @p0 .LBB2_2-.Ltmp0, $4  }
0x47: {  	[tilespmem:s6+$0x7830] =	vst v0  }
0x48: {  	[tilespmem:s6+$0x7840] =	vst v0  }
0x49: {  	[tilespmem:s6+$0x7850] =	vst v0  }
0x4a: {  	[tilespmem:s6+$0x7860] =	vst v0;
	s6 =	sshra.s32 s11, $0x2;
	s11 =	sadd.s32 $0x200, s11  }
0x4b: {  	[tilespmem:s6+$0x7870] =	vst v0  }
0x4c: {  	[tilespmem:s6+$0x7800] =	vst v0  }
0x4d: {  	[tilespmem:s6+$0x7810] =	vst v0  }
0x4e: {  	[tilespmem:s6+$0x7820] =	vst v0  }
0x4f: {  	[tilespmem:s6+$0x7830] =	vst v0  }
0x50: {  	[tilespmem:s6+$0x7840] =	vst v0  }
0x51: {  	[tilespmem:s6+$0x7850] =	vst v0  }
0x52: {  	[tilespmem:s6+$0x7860] =	vst v0;
	s7 =	simm.s32 $0x1  }
0x53: {  	_ =	swait.ge [sflag:s7], $0x28  }
0x54: {  	[sflag:s7] =	ssyncset.done $0x0  }
0x55: {  	s6 =	simm.s32 $0x0;
	[sflag:s7] =	ssyncadd.s32 $0xFFFFFFD8;
	s7 =	simm.s32 $0x2  }
0x56: {  	[tilespmem:s19], [sflag:$0x7] =	stream.indirect.gather [hbm4b:s1+s16], $0x80, s6, s16, $0xb8;
	[tilespmem:$0x1E000] =	vst v63  }
0x57: {  	_ =	swait.ge [sflag:s7], $0x28  }
0x58: {  	[sflag:s7] =	ssyncset.done $0x0  }
0x59: {  	s11 =	simm.s32 $0x3;
	[sflag:s7] =	ssyncadd.s32 $0xFFFFFFD8  }
0x5a: {  	[tilespmem:s20], [sflag:$0x8] =	stream.indirect.gather [hbm4b:s1+s16], $0x80, s16, s16, $0xb8;
	[tilespmem:$0x1E000] =	vst v63  }
0x5b: {  	_ =	swait.ge [sflag:s11], $0x28  }
0x5c: {  	[sflag:s11] =	ssyncset.done $0x0  }
0x5d: {  	s22 =	simm.s32 $0x4;
	[sflag:s11] =	ssyncadd.s32 $0xFFFFFFD8  }
0x5e: {  	[tilespmem:s10], [sflag:$0x9] =	stream.indirect.gather [hbm4b:s1+s16], $0x80, s24, s16, $0xb8;
	[tilespmem:$0x1E000] =	vst v63  }
0x5f: {  	_ =	swait.ge [sflag:s22], $0x28  }
0x60: {  	[sflag:s22] =	ssyncset.done $0x0  }
0x61: {  	[sflag:s22] =	ssyncadd.s32 $0xFFFFFFD8  }
0x62: {  	[tilespmem:s8], [sflag:$0xA] =	stream.indirect.gather [hbm4b:s1+s16], $0x80, s9, s16, $0xb8;
	[tilespmem:$0x1E000] =	vst v63  }
0x63: {  	s10 =	simm.s32 $0x7800;
	s23 =	rddreg [dreg:$0xb]  }
0x64: {  	[spmem:s17] =	stream.linear.scatter [tilespmem:s10], [sflag:$0xD], $0x1400, $0x38;
	[tilespmem:$0x1E000] =	vst v63  }
0x65: {  	s24 =	rddreg [dreg:$0xc]  }
0x66: {  	[spmem:s23] =	stream.linear.scatter [tilespmem:s10], [sflag:$0xE], $0x1400, $0x38;
	[tilespmem:$0x1E000] =	vst v63  }
0x67: {  	s25 =	rddreg [dreg:$0xd]  }
0x68: {  	[spmem:s24] =	stream.linear.scatter [tilespmem:s10], [sflag:$0xF], $0x1400, $0x38;
	[tilespmem:$0x1E000] =	vst v63  }
0x69: {  	s26 =	rddreg [dreg:$0x16]  }
0x6a: {  	[spmem:s25] =	stream.linear.scatter [tilespmem:s10], [sflag:$0x10], $0x1400, $0x38;
	[tilespmem:$0x1E000] =	vst v63  }
0x6b: {  	s11 =	rddreg [dreg:$0x19]  }
0x6c: {  	[spmem:s26] =	stream.linear.scatter [tilespmem:s10], [sflag:$0x11], $0x1400, $0x38;
	[tilespmem:$0x1E000] =	vst v63  }
0x6d: {  	s8 =	rddreg [dreg:$0x17]  }
0x6e: {  	[spmem:s8] =	stream.linear.scatter [tilespmem:s10], [sflag:$0x12], $0x1400, $0x38;
	[tilespmem:$0x1E000] =	vst v63  }
0x6f: {  	s9 =	rddreg [dreg:$0x18]  }
0x70: {  	[spmem:s9] =	stream.linear.scatter [tilespmem:s10], [sflag:$0xD], $0x1400, $0x38;
	[tilespmem:$0x1E000] =	vst v63  }
0x71: {  	s22 =	rddreg [dreg:$0x1b]  }
0x72: {  	[spmem:s11] =	stream.linear.scatter [tilespmem:s10], [sflag:$0xE], $0x1400, $0x38;
	[tilespmem:$0x1E000] =	vst v63  }
0x73: {  	s17 =	rddreg [dreg:$0x1a]  }
0x74: {  	[spmem:s17] =	stream.linear.scatter [tilespmem:s10], [sflag:$0xF], $0x1400, $0x38;
	[tilespmem:$0x1E000] =	vst v63  }
0x75: {  	s23 =	rddreg [dreg:$0x1c]  }
0x76: {  	[spmem:s22] =	stream.linear.scatter [tilespmem:s10], [sflag:$0x10], $0x1400, $0x38;
	[tilespmem:$0x1E000] =	vst v63  }
0x77: {  	s24 =	rddreg [dreg:$0x1d]  }
0x78: {  	[spmem:s23] =	stream.linear.scatter [tilespmem:s10], [sflag:$0x11], $0x1400, $0x38;
	[tilespmem:$0x1E000] =	vst v63  }
0x79: {  	s25 =	rddreg [dreg:$0x1e]  }
0x7a: {  	[spmem:s24] =	stream.linear.scatter [tilespmem:s10], [sflag:$0x12], $0x1400, $0x38;
	[tilespmem:$0x1E000] =	vst v63  }
0x7b: {  	s26 =	rddreg [dreg:$0x1f]  }
0x7c: {  	[spmem:s25] =	stream.linear.scatter [tilespmem:s10], [sflag:$0xD], $0x1400, $0x38;
	[tilespmem:$0x1E000] =	vst v63  }
0x7d: {  	s8 =	sld [smem:$0x7F6]  }
0x7e: {  	[spmem:s26] =	stream.linear.scatter [tilespmem:s10], [sflag:$0xE], $0x1400, $0x38;
	[tilespmem:$0x1E000] =	vst v63  }
0x7f: {  	s9 =	sld [smem:$0x7F7]  }
0x80: {  	[spmem:s8] =	stream.linear.scatter [tilespmem:s10], [sflag:$0xF], $0x1400, $0x38;
	[tilespmem:$0x1E000] =	vst v63  }
0x81: {  	_ = 	snop  }
0x82: {  	[spmem:s9] =	stream.linear.scatter [tilespmem:s10], [sflag:$0x10], $0x1400, $0x38;
	[tilespmem:$0x1E000] =	vst v63  }
0x83: {  	_ =	swait.ge [sflag:s29], $0x1400  }
0x84: {  	[sflag:s29] =	ssyncset.done $0x0  }
0x85: {  	[sflag:s29] =	ssyncadd.s32 $0xFFFFEC00  }
0x86: {  	_ =	swait.ge [sflag:s30], $0x1400  }
0x87: {  	[sflag:s30] =	ssyncset.done $0x0  }
0x88: {  	[sflag:s30] =	ssyncadd.s32 $0xFFFFEC00  }
0x89: {  	_ =	swait.ge [sflag:s31], $0x1400  }
0x8a: {  	[sflag:s31] =	ssyncset.done $0x0  }
0x8b: {  	[sflag:s31] =	ssyncadd.s32 $0xFFFFEC00  }
0x8c: {  	_ =	swait.ge [sflag:s2], $0x1400  }
0x8d: {  	[sflag:s2] =	ssyncset.done $0x0  }
0x8e: {  	[sflag:s2] =	ssyncadd.s32 $0xFFFFEC00  }
0x8f: {  	_ =	swait.ge [sflag:s0], $0x1400  }
0x90: {  	[sflag:s0] =	ssyncset.done $0x0  }
0x91: {  	[sflag:s0] =	ssyncadd.s32 $0xFFFFEC00  }
0x92: {  	_ =	swait.ge [sflag:s5], $0x1400  }
0x93: {  	[sflag:s5] =	ssyncset.done $0x0  }
0x94: {  	[sflag:s5] =	ssyncadd.s32 $0xFFFFEC00  }
0x95: {  	_ =	swait.ge [sflag:s29], $0x1400  }
0x96: {  	[sflag:s29] =	ssyncset.done $0x0  }
0x97: {  	[sflag:s29] =	ssyncadd.s32 $0xFFFFEC00  }
0x98: {  	_ =	swait.ge [sflag:s30], $0x1400  }
0x99: {  	[sflag:s30] =	ssyncset.done $0x0  }
0x9a: {  	[sflag:s30] =	ssyncadd.s32 $0xFFFFEC00  }
0x9b: {  	_ =	swait.ge [sflag:s31], $0x1400  }
0x9c: {  	[sflag:s31] =	ssyncset.done $0x0  }
0x9d: {  	[sflag:s31] =	ssyncadd.s32 $0xFFFFEC00  }
0x9e: {  	_ =	swait.ge [sflag:s2], $0x1400  }
0x9f: {  	[sflag:s2] =	ssyncset.done $0x0  }
0xa0: {  	[sflag:s2] =	ssyncadd.s32 $0xFFFFEC00  }
0xa1: {  	_ =	swait.ge [sflag:s0], $0x1400  }
0xa2: {  	[sflag:s0] =	ssyncset.done $0x0  }
0xa3: {  	[sflag:s0] =	ssyncadd.s32 $0xFFFFEC00  }
0xa4: {  	_ =	swait.ge [sflag:s5], $0x1400  }
0xa5: {  	[sflag:s5] =	ssyncset.done $0x0  }
0xa6: {  	[sflag:s5] =	ssyncadd.s32 $0xFFFFEC00  }
0xa7: {  	_ =	swait.ge [sflag:s29], $0x1400  }
0xa8: {  	[sflag:s29] =	ssyncset.done $0x0  }
0xa9: {  	[sflag:s29] =	ssyncadd.s32 $0xFFFFEC00  }
0xaa: {  	_ =	swait.ge [sflag:s30], $0x1400  }
0xab: {  	[sflag:s30] =	ssyncset.done $0x0  }
0xac: {  	[sflag:s30] =	ssyncadd.s32 $0xFFFFEC00  }
0xad: {  	_ =	swait.ge [sflag:s31], $0x1400  }
0xae: {  	[sflag:s31] =	ssyncset.done $0x0  }
0xaf: {  	[sflag:s31] =	ssyncadd.s32 $0xFFFFEC00  }
0xb0: {  	_ =	swait.ge [sflag:s2], $0x1400  }
0xb1: {  	[sflag:s2] =	ssyncset.done $0x0  }
0xb2: {  	[sflag:s2] =	ssyncadd.s32 $0xFFFFEC00  }
0xb3: {  	_ =	swait.ge [sflag:s14], $0x2710  }
0xb4: {  	[sflag:s14] =	ssyncset.done $0x0  }
0xb5: {  	[sflag:s14] =	ssyncadd.s32 $0xFFFFD8F0  }
0xb6: {  	[bflag:$0x0] =	sbarrier.arrive $0xFFFF  }
0xb7: {  	_ =	swait.ge [sflag:s14], $0x1400  }
0xb8: {  	[sflag:s14] =	ssyncset.done $0x0  }
0xb9: {  	s11 =	sld [smem:$0x7FC];
	[sflag:s14] =	ssyncadd.s32 $0xFFFFEC00  }
0xba: {  	[spmem:s3] =	stream.indirect.scatter.add.f32 [tilespmem:s19], [sflag:$0xD], $0x80, s18, s16, $0xb8;
	[tilespmem:$0x1E000] =	vst v63  }
0xbb: {  	s17 =	simm.s32 $0x5  }
0xbc: {  	[tilespmem:s6], [sflag:$0x1] =	stream.linear.gather [hbm4b:s11+s6], $0x28, $0x38;
	[tilespmem:$0x1E000] =	vst v63  }
0xbd: {  	_ =	swait.ge [sflag:s17], $0x28  }
0xbe: {  	[sflag:s17] =	ssyncset.done $0x0  }
0xbf: {  	s22 =	simm.s32 $0x8;
	s18 =	simm.s32 $0xA0;
	[sflag:s17] =	ssyncadd.s32 $0xFFFFFFD8  }
0xc0: {  	[tilespmem:s10], [sflag:$0xB] =	stream.indirect.gather [hbm4b:s1+s16], $0x80, s18, s16, $0xb8;
	[tilespmem:$0x1E000] =	vst v63  }
0xc1: {  	_ =	swait.ge [sflag:s22], $0x1400  }
0xc2: {  	[sflag:s22] =	ssyncset.done $0x0  }
0xc3: {  	s23 =	simm.s32 $0x118;
	[sflag:s22] =	ssyncadd.s32 $0xFFFFEC00  }
0xc4: {  	[spmem:s3] =	stream.indirect.scatter.add.f32 [tilespmem:s20], [sflag:$0xE], $0x80, s23, s16, $0xb8;
	[tilespmem:$0x1E000] =	vst v63  }
0xc5: {  	s25 =	simm.s32 $0x6;
	s24 =	rddreg [dreg:$0xe]  }
0xc6: {  	[tilespmem:s16], [sflag:$0x2] =	stream.linear.gather [hbm4b:s24+s6], $0x28, $0x38;
	[tilespmem:$0x1E000] =	vst v63  }
0xc7: {  	_ =	swait.ge [sflag:s25], $0x28  }
0xc8: {  	s17 =	rddreg [dreg:$0x15]  }
0xc9: {  	s18 =	rddreg [dreg:$0x14]  }
0xca: {  	s11 =	rddreg [dreg:$0x12]  }
0xcb: {  	[sflag:s25] =	ssyncset.done $0x0;
	s28 =	rddreg [dreg:$0x10]  }
0xcc: {  	s26 =	simm.s32 $0xC8;
	[sflag:s25] =	ssyncadd.s32 $0xFFFFFFD8;
	s25 =	rddreg [dreg:$0x13]  }
0xcd: {  	[tilespmem:s12], [sflag:$0xC] =	stream.indirect.gather [hbm4b:s1+s16], $0x80, s26, s16, $0xb8;
	[tilespmem:$0x1E000] =	vst v63  }
0xce: {  	s26 =	rddreg [dreg:$0x11]  }
.LBB2_4:
0xcf: {  	s7 =	simm.s32 $0x9  }
0xd0: {  	_ =	swait.ge [sflag:s7], $0x1400  }
0xd1: {  	s22 =	sshra.s32 s6, $0x2;
	[sflag:s7] =	ssyncset.done $0x0  }
0xd2: {  	s8 =	simm.s32 $0x5000;
	s23 =	sadd.s32 $0x140, s22;
	[sflag:s7] =	ssyncadd.s32 $0xFFFFEC00  }
0xd3: {  	[spmem:s3] =	stream.indirect.scatter.add.f32 [tilespmem:s8], [sflag:$0xF], $0x80, s23, s16, $0xb8;
	[tilespmem:$0x1E000] =	vst v63  }
0xd4: {  	s9 =	simm.s32 $0x50  }
0xd5: {  	[tilespmem:s9], [sflag:$0x3] =	stream.linear.gather [hbm4b:s17+s4], $0x28, $0x38;
	[tilespmem:$0x1E000] =	vst v63  }
0xd6: {  	_ =	swait.ge [sflag:s29], $0x1400  }
0xd7: {  	[sflag:s29] =	ssyncset.done $0x0  }
0xd8: {  	s23 =	simm.s32 $0x1;
	[sflag:s29] =	ssyncadd.s32 $0xFFFFEC00  }
0xd9: {  	_ =	swait.ge [sflag:s23], $0x28  }
0xda: {  	[sflag:s23] =	ssyncset.done $0x0  }
0xdb: {  	s24 =	simm.s32 $0xA;
	[sflag:s23] =	ssyncadd.s32 $0xFFFFFFD8  }
0xdc: {  	[tilespmem:s19], [sflag:$0x7] =	stream.indirect.gather [hbm4b:s1+s16], $0x80, s4, s16, $0xb8;
	[tilespmem:$0x1E000] =	vst v63  }
0xdd: {  	_ =	swait.ge [sflag:s24], $0x1400  }
0xde: {  	[sflag:s24] =	ssyncset.done $0x0  }
0xdf: {  	s12 =	simm.s32 $0x6400;
	s7 =	sadd.s32 $0x168, s22;
	[sflag:s24] =	ssyncadd.s32 $0xFFFFEC00  }
0xe0: {  	[spmem:s3] =	stream.indirect.scatter.add.f32 [tilespmem:s12], [sflag:$0x10], $0x80, s7, s16, $0xb8;
	[tilespmem:$0x1E000] =	vst v63  }
0xe1: {  	_ = 	snop  }
0xe2: {  	[tilespmem:s21], [sflag:$0x4] =	stream.linear.gather [hbm4b:s18+s4], $0x28, $0x38;
	[tilespmem:$0x1E000] =	vst v63  }
0xe3: {  	_ =	swait.ge [sflag:s30], $0x1400  }
0xe4: {  	[sflag:s30] =	ssyncset.done $0x0  }
0xe5: {  	s23 =	simm.s32 $0x2;
	[sflag:s30] =	ssyncadd.s32 $0xFFFFEC00  }
0xe6: {  	_ =	swait.ge [sflag:s23], $0x28  }
0xe7: {  	[sflag:s23] =	ssyncset.done $0x0  }
0xe8: {  	s24 =	simm.s32 $0xB;
	[sflag:s23] =	ssyncadd.s32 $0xFFFFFFD8  }
0xe9: {  	[tilespmem:s20], [sflag:$0x8] =	stream.indirect.gather [hbm4b:s1+s16], $0x80, s16, s16, $0xb8;
	[tilespmem:$0x1E000] =	vst v63  }
0xea: {  	_ =	swait.ge [sflag:s24], $0x1400  }
0xeb: {  	[sflag:s24] =	ssyncset.done $0x0  }
0xec: {  	p0 =	seq.s32 s6, $0x9600;
	s7 =	sadd.s32 $0x190, s22;
	[sflag:s24] =	ssyncadd.s32 $0xFFFFEC00  }
0xed: {  	[spmem:s3] =	stream.indirect.scatter.add.f32 [tilespmem:s10], [sflag:$0x11], $0x80, s7, s16, $0xb8;
	[tilespmem:$0x1E000] =	vst v63  }
0xee: {  	s23 =	simm.s32 @!p0 $0x0;
	s7 =	simm.s32 @!p0 $0xA0  }
0xef: {  	[tilespmem:s7], [sflag:$0x5] =	stream.linear.gather @!p0 [hbm4b:s25+s23], $0x28, $0x38;
	[tilespmem:$0x1E000] =	vst v63  }
0xf0: {  	_ =	swait.ge [sflag:s31], $0x1400  }
0xf1: {  	[sflag:s31] =	ssyncset.done $0x0  }
0xf2: {  	s24 =	simm.s32 $0x3;
	[sflag:s31] =	ssyncadd.s32 $0xFFFFEC00  }
0xf3: {  	_ =	swait.ge [sflag:s24], $0x28  }
0xf4: {  	[sflag:s24] =	ssyncset.done $0x0  }
0xf5: {  	[sflag:s24] =	ssyncadd.s32 $0xFFFFFFD8  }
0xf6: {  	[tilespmem:s8], [sflag:$0x9] =	stream.indirect.gather [hbm4b:s1+s16], $0x80, s9, s16, $0xb8;
	[tilespmem:$0x1E000] =	vst v63  }
0xf7: {  	s9 =	simm.s32 $0xC  }
0xf8: {  	_ =	swait.ge [sflag:s9], $0x1400  }
0xf9: {  	[sflag:s9] =	ssyncset.done $0x0  }
0xfa: {  	s8 =	sadd.s32 $0x1B8, s22;
	[sflag:s9] =	ssyncadd.s32 $0xFFFFEC00  }
0xfb: {  	[spmem:s3] =	stream.indirect.scatter.add.f32 [tilespmem:s15], [sflag:$0x12], $0x80, s8, s16, $0xb8;
	[tilespmem:$0x1E000] =	vst v63  }
0xfc: {  	s7 =	simm.s32 @!p0 $0xC8  }
0xfd: {  	[tilespmem:s7], [sflag:$0x6] =	stream.linear.gather @!p0 [hbm4b:s11+s23], $0x28, $0x38;
	[tilespmem:$0x1E000] =	vst v63  }
0xfe: {  	_ =	swait.ge [sflag:s2], $0x1400  }
0xff: {  	[sflag:s2] =	ssyncset.done $0x0  }
0x100: {  	s9 =	simm.s32 $0x4;
	[sflag:s2] =	ssyncadd.s32 $0xFFFFEC00  }
0x101: {  	_ =	swait.ge [sflag:s9], $0x28  }
0x102: {  	[sflag:s9] =	ssyncset.done $0x0  }
0x103: {  	[sflag:s9] =	ssyncadd.s32 $0xFFFFFFD8  }
0x104: {  	[tilespmem:s12], [sflag:$0xA] =	stream.indirect.gather [hbm4b:s1+s16], $0x80, s21, s16, $0xb8;
	[tilespmem:$0x1E000] =	vst v63  }
.Ltmp1:
0x105: {  	_ = 	snop;
	(pc) =	sbr.rel @p0 .LBB2_6-.Ltmp1, $4  }
0x106: {  	s10 =	simm.s32 $0x5000;
	s24 =	simm.s32 $0x50;
	_ =	swait.ge [sflag:s14], $0x1400  }
0x107: {  	s8 =	simm.s32 $0x6400;
	s23 =	sadd.s32 $0x1E0, s22;
	[sflag:s14] =	ssyncset.done $0x0  }
0x108: {  	s22 =	sadd.s32 $0x208, s22;
	s9 =	simm.s32 $0x78;
	[sflag:s14] =	ssyncadd.s32 $0xFFFFEC00  }
0x109: {  	[spmem:s3] =	stream.indirect.scatter.add.f32 [tilespmem:s19], [sflag:$0xD], $0x80, s23, s16, $0xb8;
	[tilespmem:$0x1E000] =	vst v63  }
0x10a: {  	[tilespmem:s4], [sflag:$0x1] =	stream.linear.gather [hbm4b:s26+s4], $0x28, $0x38;
	[tilespmem:$0x1E000] =	vst v63  }
0x10b: {  	_ =	swait.ge [sflag:s0], $0x1400  }
0x10c: {  	[sflag:s0] =	ssyncset.done $0x0  }
0x10d: {  	s7 =	simm.s32 $0x5;
	[sflag:s0] =	ssyncadd.s32 $0xFFFFEC00  }
0x10e: {  	_ =	swait.ge [sflag:s7], $0x28  }
0x10f: {  	[sflag:s7] =	ssyncset.done $0x0  }
0x110: {  	s10 =	simm.s32 $0xA0;
	s12 =	simm.s32 $0x8;
	[sflag:s7] =	ssyncadd.s32 $0xFFFFFFD8  }
0x111: {  	[tilespmem:s13], [sflag:$0xB] =	stream.indirect.gather [hbm4b:s1+s16], $0x80, s10, s16, $0xb8;
	[tilespmem:$0x1E000] =	vst v63  }
0x112: {  	_ =	swait.ge [sflag:s12], $0x1400  }
0x113: {  	[sflag:s12] =	ssyncset.done $0x0  }
0x114: {  	[sflag:s12] =	ssyncadd.s32 $0xFFFFEC00  }
0x115: {  	[spmem:s3] =	stream.indirect.scatter.add.f32 [tilespmem:s20], [sflag:$0xE], $0x80, s22, s16, $0xb8;
	[tilespmem:$0x1E000] =	vst v63  }
0x116: {  	_ = 	snop  }
0x117: {  	[tilespmem:s16], [sflag:$0x2] =	stream.linear.gather [hbm4b:s28+s4], $0x28, $0x38;
	[tilespmem:$0x1E000] =	vst v63  }
0x118: {  	s23 =	simm.s32 $0x6;
	_ =	swait.ge [sflag:s5], $0x1400  }
0x119: {  	s24 =	simm.s32 $0xC8;
	s6 =	sadd.s32 $0x3C0, s6;
	[sflag:s5] =	ssyncset.done $0x0  }
.Ltmp2:
0x11a: {  	s26 =	sadd.s32 $0x1E, s26;
	[sflag:s5] =	ssyncadd.s32 $0xFFFFEC00;
	(pc) =	sbr.rel .LBB2_4-.Ltmp2, $4  }
0x11b: {  	s11 =	sadd.s32 $0x1E, s11;
	s25 =	sadd.s32 $0x1E, s25;
	_ =	swait.ge [sflag:s23], $0x28  }
0x11c: {  	s18 =	sadd.s32 $0x1E, s18;
	s17 =	sadd.s32 $0x1E, s17;
	[sflag:s23] =	ssyncset.done $0x0  }
0x11d: {  	s10 =	simm.s32 $0x7800;
	s28 =	sadd.s32 $0x1E, s28;
	[sflag:s23] =	ssyncadd.s32 $0xFFFFFFD8  }
0x11e: {  	[tilespmem:s15], [sflag:$0xC] =	stream.indirect.gather [hbm4b:s1+s16], $0x80, s24, s16, $0xb8;
	[tilespmem:$0x1E000] =	vst v63  }
.LBB2_6:
0x11f: {  	s6 =	simm.s32 $0x8  }
0x120: {  	_ =	swait.ge [sflag:s6], $0x1400  }
0x121: {  	[sflag:s6] =	ssyncset.done $0x0  }
0x122: {  	[sflag:s6] =	ssyncadd.s32 $0xFFFFEC00  }
0x123: {  	[spmem:s3] =	stream.indirect.scatter.add.f32 [tilespmem:s20], [sflag:$0xE], $0x80, s22, s16, $0xb8;
	[tilespmem:$0x1E000] =	vst v63  }
0x124: {  	s22 =	simm.s32 $0x9  }
0x125: {  	_ =	swait.ge [sflag:s22], $0x1400  }
0x126: {  	[sflag:s22] =	ssyncset.done $0x0  }
0x127: {  	s23 =	simm.s32 $0x27B0;
	s25 =	simm.s32 $0xA;
	[sflag:s22] =	ssyncadd.s32 $0xFFFFEC00  }
0x128: {  	[spmem:s3] =	stream.indirect.scatter.add.f32 [tilespmem:s10], [sflag:$0xF], $0x80, s23, s16, $0xb8;
	[tilespmem:$0x1E000] =	vst v63  }
0x129: {  	_ =	swait.ge [sflag:s25], $0x1400  }
0x12a: {  	[sflag:s25] =	ssyncset.done $0x0  }
0x12b: {  	s26 =	simm.s32 $0x27D8;
	[sflag:s25] =	ssyncadd.s32 $0xFFFFEC00  }
0x12c: {  	[spmem:s3] =	stream.indirect.scatter.add.f32 [tilespmem:s8], [sflag:$0x10], $0x80, s26, s16, $0xb8;
	[tilespmem:$0x1E000] =	vst v63  }
0x12d: {  	_ =	swait.ge [sflag:s29], $0x1400  }
0x12e: {  	[sflag:s29] =	ssyncset.done $0x0  }
0x12f: {  	[sflag:s29] =	ssyncadd.s32 $0xFFFFEC00  }
0x130: {  	_ =	swait.ge [sflag:s30], $0x1400  }
0x131: {  	[sflag:s30] =	ssyncset.done $0x0  }
0x132: {  	[sflag:s30] =	ssyncadd.s32 $0xFFFFEC00  }
0x133: {  	_ =	swait.ge [sflag:s31], $0x1400  }
0x134: {  	[sflag:s31] =	ssyncset.done $0x0  }
0x135: {  	[sflag:s31] =	ssyncadd.s32 $0xFFFFEC00  }
0x136: {  	_ =	swait.ge [sflag:s2], $0x1400  }
0x137: {  	[sflag:s2] =	ssyncset.done $0x0  }
0x138: {  	[sflag:s2] =	ssyncadd.s32 $0xFFFFEC00  }
0x139: {  	_ =	swait.ge [sflag:s0], $0x1400  }
0x13a: {  	[sflag:s0] =	ssyncset.done $0x0  }
0x13b: {  	[sflag:s0] =	ssyncadd.s32 $0xFFFFEC00  }
0x13c: {  	_ =	swait.ge [sflag:s5], $0x1400  }
0x13d: {  	[sflag:s5] =	ssyncset.done $0x0  }
0x13e: {  	[sflag:s5] =	ssyncadd.s32 $0xFFFFEC00  }
0x13f: {  	[bflag:$0x0] =	sbarrier.arrive $0xFFFF  }
0x140: {  	s28 =	stileid.u32;
	s11 =	sld [smem:$0x7F8]  }
0x141: {  	s6 =	sshll.u32 s28, $0x6;
	s17 =	rddreg [dreg:$0xa]  }
0x142: {  	s6 =	sor.u32 $0x1C0C, s6;
	s7 =	sshrl.u32 s17, $0x3  }
0x143: {  	[hbm:s11], [sflag:s6] =	dma.local [spmem:s7], $0x2800  }
0x144: {  	s6 =	simm.s32 $0x0;
	s11 =	simm.s32 $0x200  }
.LBB2_7:
0x145: {  	p0 =	sne.s32 s11, $0x4E00;
	[tilespmem:s6+$0x2870] =	vst v0  }
0x146: {  	[tilespmem:s6+$0x2800] =	vst v0  }
0x147: {  	[tilespmem:s6+$0x2810] =	vst v0  }
.Ltmp3:
0x148: {  	[tilespmem:s6+$0x2820] =	vst v0;
	(pc) =	sbr.rel @p0 .LBB2_7-.Ltmp3, $4  }
0x149: {  	[tilespmem:s6+$0x2830] =	vst v0  }
0x14a: {  	[tilespmem:s6+$0x2840] =	vst v0  }
0x14b: {  	[tilespmem:s6+$0x2850] =	vst v0  }
0x14c: {  	[tilespmem:s6+$0x2860] =	vst v0;
	s6 =	sshra.s32 s11, $0x2;
	s11 =	sadd.s32 $0x200, s11  }
0x14d: {  	[tilespmem:s6+$0x2870] =	vst v0  }
0x14e: {  	[tilespmem:s6+$0x2800] =	vst v0  }
0x14f: {  	[tilespmem:s6+$0x2810] =	vst v0  }
0x150: {  	[tilespmem:s6+$0x2820] =	vst v0  }
0x151: {  	[tilespmem:s6+$0x2830] =	vst v0  }
0x152: {  	[tilespmem:s6+$0x2840] =	vst v0  }
0x153: {  	[tilespmem:s6+$0x2850] =	vst v0  }
0x154: {  	[tilespmem:s6+$0x2860] =	vst v0;
	s6 =	simm.s32 $0x0  }
0x155: {  	s11 =	simm.s32 $0x200;
	s18 =	simm.s32 $0xF0;
	s12 =	simm.s32 $0x8C00  }
.LBB2_9:
0x156: {  	p0 =	sne.s32 s11, $0x4E00;
	[tilespmem:s6+$0x3C70] =	vst v0  }
0x157: {  	[tilespmem:s6+$0x3C00] =	vst v0  }
0x158: {  	[tilespmem:s6+$0x3C10] =	vst v0  }
.Ltmp4:
0x159: {  	[tilespmem:s6+$0x3C20] =	vst v0;
	(pc) =	sbr.rel @p0 .LBB2_9-.Ltmp4, $4  }
0x15a: {  	[tilespmem:s6+$0x3C30] =	vst v0  }
0x15b: {  	[tilespmem:s6+$0x3C40] =	vst v0  }
0x15c: {  	[tilespmem:s6+$0x3C50] =	vst v0  }
0x15d: {  	[tilespmem:s6+$0x3C60] =	vst v0;
	s6 =	sshra.s32 s11, $0x2;
	s11 =	sadd.s32 $0x200, s11  }
0x15e: {  	[tilespmem:s6+$0x3C70] =	vst v0  }
0x15f: {  	[tilespmem:s6+$0x3C00] =	vst v0  }
0x160: {  	[tilespmem:s6+$0x3C10] =	vst v0  }
0x161: {  	[tilespmem:s6+$0x3C20] =	vst v0  }
0x162: {  	[tilespmem:s6+$0x3C30] =	vst v0  }
0x163: {  	[tilespmem:s6+$0x3C40] =	vst v0  }
0x164: {  	[tilespmem:s6+$0x3C50] =	vst v0  }
0x165: {  	[tilespmem:s6+$0x3C60] =	vst v0;
	s6 =	simm.s32 $0x0  }
.LBB2_11:
0x166: {  	s7 =	sshra.s32 s6, $0x2  }
0x167: {  	v2 =	vld [tilespmem:s7+$0xF0];
	_ =	sdelay $0x4  }
0x168: {  	vm1 =	vlt.u32 v2, $0x1400  }
0x169: {  	vm2 =	vge.u32 v2, $0x1400  }
0x16a: {  	v3 =	vadd.s32 $0xFFFFEC00, v2;
	_ =	sdelay $0x3  }
0x16b: {  	[tilespmem:v2+s19+$0x0] =	vst.idx.add.f32.msk vm1, v1  }
0x16c: {  	[tilespmem:v3+s20+$0x0] =	vst.idx.add.f32.msk vm2, v1  }
0x16d: {  	v2 =	vld [tilespmem:s7+$0x100];
	_ =	sdelay $0x4  }
0x16e: {  	vm1 =	vlt.u32 v2, $0x1400  }
0x16f: {  	vm2 =	vge.u32 v2, $0x1400  }
0x170: {  	v3 =	vadd.s32 $0xFFFFEC00, v2;
	_ =	sdelay $0x3  }
0x171: {  	[tilespmem:v2+s19+$0x0] =	vst.idx.add.f32.msk vm1, v1  }
0x172: {  	[tilespmem:v3+s20+$0x0] =	vst.idx.add.f32.msk vm2, v1  }
0x173: {  	v2 =	vld [tilespmem:s7+$0x108];
	_ =	sdelay $0x4  }
0x174: {  	vm1 =	vlt.u32 v2, $0x1400  }
0x175: {  	vm2 =	vge.u32 v2, $0x1400;
	vm1 =	vmand vm1, vm0  }
0x176: {  	vm2 =	vmand vm2, vm0  }
0x177: {  	p0 =	sne.s32 s6, $0x9BA0;
	v3 =	vadd.s32 $0xFFFFEC00, v2  }
.Ltmp5:
0x178: {  	_ = 	snop;
	(pc) =	sbr.rel @p0 .LBB2_11-.Ltmp5, $3  }
0x179: {  	_ =	sdelay $0x1  }
0x17a: {  	[tilespmem:v2+s19+$0x0] =	vst.idx.add.f32.msk vm1, v1  }
0x17b: {  	s6 =	sadd.s32 $0xA0, s6;
	[tilespmem:v3+s20+$0x0] =	vst.idx.add.f32.msk vm2, v1  }
0x17c: {  	s6 =	rddreg [dreg:$0xf];
	s7 =	simm.s32 $0x13  }
0x17d: {  	[hbm4b:s6+s4] =	stream.linear.scatter [tilespmem:s19], [sflag:$0x13], $0x1400, $0x38;
	[tilespmem:$0x1E000] =	vst v63  }
0x17e: {  	_ =	swait.ge [sflag:s7], $0x1400  }
0x17f: {  	s25 =	sld [smem:$0x7FD]  }
0x180: {  	[sflag:s7] =	ssyncset.done $0x0  }
0x181: {  	[sflag:s7] =	ssyncadd.s32 $0xFFFFEC00  }
0x182: {  	[hbm4b:s25+s4] =	stream.linear.scatter [tilespmem:s20], [sflag:$0x13], $0x1400, $0x38;
	[tilespmem:$0x1E000] =	vst v63  }
0x183: {  	_ =	swait.ge [sflag:s7], $0x1400  }
0x184: {  	[sflag:s7] =	ssyncset.done $0x0  }
0x185: {  	s26 =	simm.s32 $0xC;
	[sflag:s7] =	ssyncadd.s32 $0xFFFFEC00  }
0x186: {  	_ =	swait.ge [sflag:s26], $0x2800  }
0x187: {  	s11 =	sld [smem:$0x7F5]  }
0x188: {  	s28 =	sld [smem:$0x7F9];
	_ =	sdelay $0x1  }
0x189: {  	s11 =	sadd.s32 $0x1, s11  }
0x18a: {  	p0 =	sne.s32 s11, s28  }
.Ltmp6:
0x18b: {  	_ = 	snop;
	(pc) =	sbr.rel @p0 .LBB2_1-.Ltmp6, $3  }
0x18c: {  	_ =	sdelay $0x1  }
0x18d: {  	[sflag:s26] =	ssyncset.done $0x0  }
0x18e: {  	[sflag:s26] =	ssyncadd.s32 $0xFFFFD800  }
0x18f: {  	_ =	sfence.sel $0x180000  }
0x190: {  	[bflag:$0x0] =	sbarrier.arrive $0xFFFF  }
0x191: {  	_ =	strace $0x90000047  }
0x192: {  	s0 =	stileid.u32;
	[bflag:$0x2] =	sbarrier.arrive $0xFFFF  }
0x193: {  	p0 =	sne.s32 s0, $0x0;
	s0 =	rddreg [dreg:$0x4]  }
0x194: {  	s0 =	sadd.s32 @!p0 $0x100000, s0  }
0x195: {  	[sflag:s0] =	ssyncadd.tile.s32 @!p0 $0x1;
	_ =	shalt  }
.Lfunc_end2:
_tile_overlayer_lowered:
.L_overlay_start_2:
0x196: {  	(tag) =	ssettag $0x2  }
0x197: {  	s0 =	rddreg [dreg:$0x0];
	s2 =	stileid.u32  }
0x198: {  	s1 =	rddreg [dreg:$0x1];
	p0 =	sne.s32 s2, $0x0  }
0x199: {  	s3 =	rddreg [dreg:$0x2];
	[bflag:$0x3] =	sbarrier.arrive $0xFFFF;
	s2 =	simm.s32 @!p0 $0x1C13  }
0x19a: {  	[timem:s3], [sflag:s2] =	dma.local @!p0 [hbm:s0], s1  }
0x19b: {  	s0 =	simm.s32 @!p0 $0x13  }
0x19c: {  	_ =	swait.ge @!p0 [sflag:s0], s1  }
0x19d: {  	s1 =	ssub.s32 @!p0 $0x0, s1;
	[sflag:s0] =	ssyncset.done @!p0 $0x0  }
0x19e: {  	[sflag:s0] =	ssyncadd.s32 @!p0 s1  }
0x19f: {  	[bflag:$0x3] =	sbarrier.arrive $0xFFFF  }
0x1a0: {  	_ =	shalt  }

</sc_bundles>
